<compile_context>
chip_gen: v7x
topology: tpu7x:2x2x1
jax: 0.10.2.dev20260603
libtpu: 0.0.44.dev20260713+nightly
codegen_flags: <defaults>
</compile_context>

<pallas_src>
import functools

import numpy as np
import jax
import jax.numpy as jnp
from jax import lax
from jax.experimental import pallas as pl
from jax.experimental.pallas import tpu as pltpu
from jax.experimental.pallas import tpu_sc as plsc

_N = 10000
_E = 160000
_H = 200
_HH = 100
_HP = 112
_R2 = 100
_C = 80
_NC = 2
_NS = 16
_CHUNKS = _E // _C
_CPT = _CHUNKS // _NS
_VPC = _C * _HH // 16
_SR = 640
_ZC = 80


def _sc_agg(x2, src2d, dst2d, et2d, nm2d, wd2, wo2, eidx, zrows):
    mesh = plsc.VectorSubcoreMesh(core_axis_name="c", subcore_axis_name="s")

    @functools.partial(
        pl.kernel,
        out_type=jax.ShapeDtypeStruct((_NC, _N, _HP), jnp.float32),
        mesh=mesh,
        scratch_types=[
            pltpu.VMEM((_R2, _HH), jnp.float32),
            pltpu.VMEM((_R2, _HH), jnp.float32),
            pltpu.VMEM((_VPC, 16), jnp.int32),
            pltpu.VMEM((_C,), jnp.int32),
            pltpu.VMEM((_C,), jnp.int32),
            pltpu.VMEM((_C,), jnp.int32),
            pltpu.VMEM((_C,), jnp.float32),
            pltpu.VMEM((_C, _HP), jnp.float32),
            pltpu.VMEM((_C, _HP), jnp.float32),
            pltpu.VMEM_SHARED((_N, _HP), jnp.float32),
            pltpu.SemaphoreType.DMA,
        ],
        compiler_params=pltpu.CompilerParams(use_tc_tiling_on_sc=False,
                                             needs_layout_passes=False),
    )
    def k(x_hbm, src_hbm, dst_hbm, et_hbm, nm_hbm, wd_hbm, wo_hbm, e_hbm,
          z_hbm, out_hbm,
          wd_v, wo_v, e_v, src_v, dst_v, et_v, nm_v, rows_v, msg_v, acc, sem):
        cid = lax.axis_index("c")
        sid = lax.axis_index("s")
        pltpu.sync_copy(wd_hbm.at[cid], wd_v)
        pltpu.sync_copy(wo_hbm.at[cid], wo_v)
        pltpu.sync_copy(e_hbm, e_v)
        pltpu.sync_copy(z_hbm, rows_v)
        pltpu.sync_copy(z_hbm, msg_v)
        iota = lax.iota(jnp.int32, 16)

        row0 = jnp.minimum(sid * _SR, _N - _SR)

        @pl.loop(0, _SR // _ZC)
        def _(i):
            off = pl.multiple_of(row0 + i * _ZC, 8)
            pltpu.sync_copy(rows_v.at[pl.ds(0, _ZC)],
                            acc.at[pl.ds(off, _ZC)])

        plsc.subcore_barrier()

        @pl.loop(0, _CPT)
        def _(kk):
            chunk = sid * _CPT + kk
            c1 = pltpu.async_copy(src_hbm.at[chunk], src_v, sem)
            c2 = pltpu.async_copy(dst_hbm.at[chunk], dst_v, sem)
            c3 = pltpu.async_copy(et_hbm.at[chunk], et_v, sem)
            c4 = pltpu.async_copy(nm_hbm.at[chunk], nm_v, sem)
            c1.wait(); c2.wait(); c3.wait(); c4.wait()
            pltpu.async_copy(x_hbm.at[cid].at[src_v], rows_v, sem).wait()

            @plsc.parallel_loop(0, _VPC, unroll=4)
            def _(v):
                e = e_v[v]
                h = v * 16 + iota - e * _HH
                r = plsc.load_gather(et_v, [e])
                nm = plsc.load_gather(nm_v, [e])
                xv = plsc.load_gather(rows_v, [e, h])
                xs = plsc.load_gather(rows_v, [e, h ^ 1])
                wdv = plsc.load_gather(wd_v, [r, h])
                wov = plsc.load_gather(wo_v, [r, h])
                plsc.store_scatter(msg_v, [e, h], (xv * wdv + xs * wov) * nm)

            pltpu.sync_copy(msg_v, acc.at[dst_v], add=True)

        plsc.subcore_barrier()

        @pl.loop(0, _SR // _ZC)
        def _(i):
            off = pl.multiple_of(row0 + i * _ZC, 8)
            pltpu.sync_copy(acc.at[pl.ds(off, _ZC)],
                            out_hbm.at[cid, pl.ds(off, _ZC)])

    return k(x2, src2d, dst2d, et2d, nm2d, wd2, wo2, eidx, zrows)


def _combine(part, x, w, b, relu):
    bm = 1000

    def body(p_ref, x_ref, w_ref, b_ref, o_ref):
        acc = (p_ref[...]
               + jnp.dot(x_ref[...], w_ref[...],
                         preferred_element_type=jnp.float32)
               + b_ref[...])
        o_ref[...] = jnp.maximum(acc, 0.0) if relu else acc

    return pl.pallas_call(
        body,
        grid=(_N // bm,),
        in_specs=[
            pl.BlockSpec((bm, _H), lambda i: (i, 0)),
            pl.BlockSpec((bm, _H), lambda i: (i, 0)),
            pl.BlockSpec((_H, _H), lambda i: (0, 0)),
            pl.BlockSpec((1, _H), lambda i: (0, 0)),
        ],
        out_specs=pl.BlockSpec((bm, _H), lambda i: (i, 0)),
        out_shape=jax.ShapeDtypeStruct((_N, _H), jnp.float32),
    )(part, x, w, b.reshape(1, _H))


def _repack(W):
    wd = jnp.stack([W[:, :, 0, 0], W[:, :, 1, 1]], axis=-1).reshape(_R2, _H)
    wo = jnp.stack([W[:, :, 1, 0], W[:, :, 0, 1]], axis=-1).reshape(_R2, _H)
    wd2 = jnp.stack([wd[:, :_HH], wd[:, _HH:]])
    wo2 = jnp.stack([wo[:, :_HH], wo[:, _HH:]])
    return wd2, wo2


def _split(x):
    lo = jnp.pad(x[:, :_HH], ((0, 0), (0, _HP - _HH)))
    hi = jnp.pad(x[:, _HH:], ((0, 0), (0, _HP - _HH)))
    return jnp.stack([lo, hi])


def kernel(nids, edge_index, etypes, norm, emb, W1, loop_w1, bias1,
           W2, loop_w2, bias2):
    x = jnp.take(emb, nids, axis=0)
    src = edge_index[0].reshape(_CHUNKS, _C)
    dst = edge_index[1].reshape(_CHUNKS, _C)
    et = etypes.reshape(_CHUNKS, _C)
    nm = norm.reshape(_CHUNKS, _C)
    wd1, wo1 = _repack(W1)
    wd2, wo2 = _repack(W2)
    eidx = (jnp.arange(_C * _HH, dtype=jnp.int32) // _HH).reshape(_VPC, 16)
    zrows = jnp.zeros((_C, _HP), jnp.float32)

    p1 = _sc_agg(_split(x), src, dst, et, nm, wd1, wo1, eidx, zrows)
    part1 = jnp.concatenate([p1[0, :, :_HH], p1[1, :, :_HH]], axis=1)
    h = _combine(part1, x, loop_w1, bias1, relu=True)
    p2 = _sc_agg(_split(h), src, dst, et, nm, wd2, wo2, eidx, zrows)
    part2 = jnp.concatenate([p2[0, :, :_HH], p2[1, :, :_HH]], axis=1)
    return _combine(part2, h, loop_w2, bias2, relu=False)

# --- scband reference (transcript-rebuilt; emitter-appended) ---
"""Pipeline reference for scband-link-predict-13511967113605 (READ-ONLY COPY).

The authoritative reference and input builder live on the scoring server;
editing this copy changes nothing except your own understanding.
"""

import jax, jax.numpy as jnp
import numpy as np

N = 10000        # num_nodes
E = 160000       # num_edges
H = 200          # h_dim
NB = 100         # num_bases (bdd blocks)
SI = H // NB     # submat_in = 2
SO = H // NB     # submat_out = 2
R2 = 100         # num_rels * 2 edge types


def setup_inputs(seed: int = 0) -> dict:
    key = jax.random.key(seed)
    ks = jax.random.split(key, 12)
    nids = jnp.arange(N, dtype=jnp.int32)
    edge_index = jax.random.randint(ks[0], (2, E), 0, N, dtype=jnp.int32)
    etypes = jax.random.randint(ks[1], (E,), 0, R2, dtype=jnp.int32)
    norm = jax.random.uniform(ks[2], (E, 1), dtype=jnp.float32)
    # learned parameters
    emb = jax.random.normal(ks[3], (N, H), dtype=jnp.float32) * 0.02
    W1 = jax.random.normal(ks[4], (R2, NB, SI, SO), dtype=jnp.float32) * 0.05
    loop_w1 = jax.random.normal(ks[5], (H, H), dtype=jnp.float32) * (1.0 / np.sqrt(H))
    bias1 = jnp.zeros((H,), dtype=jnp.float32)
    W2 = jax.random.normal(ks[6], (R2, NB, SI, SO), dtype=jnp.float32) * 0.05
    loop_w2 = jax.random.normal(ks[7], (H, H), dtype=jnp.float32) * (1.0 / np.sqrt(H))
    bias2 = jnp.zeros((H,), dtype=jnp.float32)
    return {
        'nids': nids, 'edge_index': edge_index, 'etypes': etypes, 'norm': norm,
        'emb': emb,
        'W1': W1, 'loop_w1': loop_w1, 'bias1': bias1,
        'W2': W2, 'loop_w2': loop_w2, 'bias2': bias2,
    }


def _rel_graph_conv_bdd(x, edge_index, etypes, norm, W, loop_w, bias):
    # DGL RelGraphConv with regularizer='bdd', self_loop=True, bias=True (eval mode)
    src = edge_index[0]
    dst = edge_index[1]
    x_src = x[src]                                  # gather [E, H]
    xb = x_src.reshape(-1, NB, SI)                  # [E, NB, SI]
    We = W[etypes]                                  # gather [E, NB, SI, SO]
    msg = jnp.einsum('ebi,ebio->ebo', xb, We)       # block-diagonal matmul
    msg = msg.reshape(-1, H) * norm                 # apply edge norm
    agg = jax.ops.segment_sum(msg, dst, num_segments=N)  # scatter-add to dst
    return agg + x @ loop_w + bias                  # self-loop + bias


def reference(nids, edge_index, etypes, norm, emb, W1, loop_w1, bias1, W2, loop_w2, bias2):
    # LinkPredict.forward(g, nids) -> RGCN.forward(g, nids)
    x = emb[nids]                                   # nn.Embedding lookup
    h = jax.nn.relu(_rel_graph_conv_bdd(x, edge_index, etypes, norm, W1, loop_w1, bias1))
    # dropout(0.2) is identity in eval mode
    h = _rel_graph_conv_bdd(h, edge_index, etypes, norm, W2, loop_w2, bias2)
    return h

if __name__ == "__main__":
    import jax
    _d = setup_inputs()
    print(jax.jit(kernel)(*tuple(_d.values())))

</pallas_src>

<mosaic_0001>
#map = affine_map<(d0, d1) -> (0, 0, 0)>
#map1 = affine_map<(d0, d1) -> (0, 0)>
module attributes {stable_mosaic.version = 14 : i64} {
  func.func @k(%arg0: i32, %arg1: i32, %arg2: memref<2x10000x112xf32, #tpu.memory_space<hbm>>, %arg3: memref<2000x80xi32, #tpu.memory_space<hbm>>, %arg4: memref<2000x80xi32, #tpu.memory_space<hbm>>, %arg5: memref<2000x80xi32, #tpu.memory_space<hbm>>, %arg6: memref<2000x80xf32, #tpu.memory_space<hbm>>, %arg7: memref<2x100x100xf32, #tpu.memory_space<hbm>>, %arg8: memref<2x100x100xf32, #tpu.memory_space<hbm>>, %arg9: memref<500x16xi32, #tpu.memory_space<hbm>>, %arg10: memref<80x112xf32, #tpu.memory_space<hbm>>, %arg11: memref<2x10000x112xf32, #tpu.memory_space<hbm>>, %arg12: memref<100x100xf32, #tpu.memory_space<vmem>>, %arg13: memref<100x100xf32, #tpu.memory_space<vmem>>, %arg14: memref<500x16xi32, #tpu.memory_space<vmem>>, %arg15: memref<80xi32, #tpu.memory_space<vmem>>, %arg16: memref<80xi32, #tpu.memory_space<vmem>>, %arg17: memref<80xi32, #tpu.memory_space<vmem>>, %arg18: memref<80xf32, #tpu.memory_space<vmem>>, %arg19: memref<80x112xf32, #tpu.memory_space<vmem>>, %arg20: memref<80x112xf32, #tpu.memory_space<vmem>>, %arg21: memref<10000x112xf32, #tpu.memory_space<vmem_shared>>, %arg22: memref<!tpu.dma_semaphore, #tpu.memory_space<semaphore_mem>>) attributes {dimension_semantics = [#tpu.dimension_semantics<core_parallel>, #tpu.dimension_semantics<subcore_parallel>], iteration_bounds = array<i64: 2, 16>, scalar_prefetch = 0 : i64, scratch_operands = 11 : i64, tpu.core_type = #tpu.core_type<sc_vector_subcore>, window_params = [{transform_indices = #map}, {transform_indices = #map1}, {transform_indices = #map1}, {transform_indices = #map1}, {transform_indices = #map1}, {transform_indices = #map}, {transform_indices = #map}, {transform_indices = #map1}, {transform_indices = #map1}, {transform_indices = #map}]} {
    "tpu.region"() ({
      %run_scoped3A = tpu.sem_alloc : memref<!tpu.dma_semaphore, #tpu.memory_space<semaphore_mem>>
      %dma_start3A = arith.constant 0 : i32
      %dma_start3A_17 = arith.constant 0 : i32
      %dma_start3A_18 = tpu.memref_slice %arg7[%arg0, %dma_start3A, %dma_start3A_17] : memref<2x100x100xf32, #tpu.memory_space<hbm>> -> memref<1x100x100xf32, #tpu.memory_space<hbm>>
      %dma_start3A_19 = tpu.memref_squeeze %dma_start3A_18 : memref<1x100x100xf32, #tpu.memory_space<hbm>> -> memref<100x100xf32, #tpu.memory_space<hbm>>
      %dma_start3A_20 = arith.constant 0 : i32
      %dma_start3A_21 = arith.constant 0 : i32
      %dma_start3A_22 = tpu.memref_slice %arg7[%arg0, %dma_start3A_20, %dma_start3A_21] : memref<2x100x100xf32, #tpu.memory_space<hbm>> -> memref<1x100x100xf32, #tpu.memory_space<hbm>>
      %dma_start3A_23 = tpu.memref_squeeze %dma_start3A_22 : memref<1x100x100xf32, #tpu.memory_space<hbm>> -> memref<100x100xf32, #tpu.memory_space<hbm>>
      tpu.enqueue_dma source(%dma_start3A_23 : memref<100x100xf32, #tpu.memory_space<hbm>>) target(%arg12 : memref<100x100xf32, #tpu.memory_space<vmem>>) target_semaphore(%run_scoped3A : memref<!tpu.dma_semaphore, #tpu.memory_space<semaphore_mem>>)
      %dma_wait3A = arith.constant 0 : i32
      %dma_wait3A_24 = arith.constant 0 : i32
      %dma_wait3A_25 = tpu.memref_slice %arg7[%arg0, %dma_wait3A, %dma_wait3A_24] : memref<2x100x100xf32, #tpu.memory_space<hbm>> -> memref<1x100x100xf32, #tpu.memory_space<hbm>>
      %dma_wait3A_26 = tpu.memref_squeeze %dma_wait3A_25 : memref<1x100x100xf32, #tpu.memory_space<hbm>> -> memref<100x100xf32, #tpu.memory_space<hbm>>
      %dma_wait3A_27 = arith.constant 0 : i32
      %dma_wait3A_28 = arith.constant 0 : i32
      %dma_wait3A_29 = tpu.memref_slice %arg7[%arg0, %dma_wait3A_27, %dma_wait3A_28] : memref<2x100x100xf32, #tpu.memory_space<hbm>> -> memref<1x100x100xf32, #tpu.memory_space<hbm>>
      %dma_wait3A_30 = tpu.memref_squeeze %dma_wait3A_29 : memref<1x100x100xf32, #tpu.memory_space<hbm>> -> memref<100x100xf32, #tpu.memory_space<hbm>>
      tpu.wait_dma2 semaphore(%run_scoped3A : memref<!tpu.dma_semaphore, #tpu.memory_space<semaphore_mem>>) src(%dma_wait3A_30 : memref<100x100xf32, #tpu.memory_space<hbm>>) dst(%arg12 : memref<100x100xf32, #tpu.memory_space<vmem>>)
      tpu.yield
    }) : () -> ()
    "tpu.region"() ({
      %run_scoped3A = tpu.sem_alloc : memref<!tpu.dma_semaphore, #tpu.memory_space<semaphore_mem>>
      %dma_start3A = arith.constant 0 : i32
      %dma_start3A_17 = arith.constant 0 : i32
      %dma_start3A_18 = tpu.memref_slice %arg8[%arg0, %dma_start3A, %dma_start3A_17] : memref<2x100x100xf32, #tpu.memory_space<hbm>> -> memref<1x100x100xf32, #tpu.memory_space<hbm>>
      %dma_start3A_19 = tpu.memref_squeeze %dma_start3A_18 : memref<1x100x100xf32, #tpu.memory_space<hbm>> -> memref<100x100xf32, #tpu.memory_space<hbm>>
      %dma_start3A_20 = arith.constant 0 : i32
      %dma_start3A_21 = arith.constant 0 : i32
      %dma_start3A_22 = tpu.memref_slice %arg8[%arg0, %dma_start3A_20, %dma_start3A_21] : memref<2x100x100xf32, #tpu.memory_space<hbm>> -> memref<1x100x100xf32, #tpu.memory_space<hbm>>
      %dma_start3A_23 = tpu.memref_squeeze %dma_start3A_22 : memref<1x100x100xf32, #tpu.memory_space<hbm>> -> memref<100x100xf32, #tpu.memory_space<hbm>>
      tpu.enqueue_dma source(%dma_start3A_23 : memref<100x100xf32, #tpu.memory_space<hbm>>) target(%arg13 : memref<100x100xf32, #tpu.memory_space<vmem>>) target_semaphore(%run_scoped3A : memref<!tpu.dma_semaphore, #tpu.memory_space<semaphore_mem>>)
      %dma_wait3A = arith.constant 0 : i32
      %dma_wait3A_24 = arith.constant 0 : i32
      %dma_wait3A_25 = tpu.memref_slice %arg8[%arg0, %dma_wait3A, %dma_wait3A_24] : memref<2x100x100xf32, #tpu.memory_space<hbm>> -> memref<1x100x100xf32, #tpu.memory_space<hbm>>
      %dma_wait3A_26 = tpu.memref_squeeze %dma_wait3A_25 : memref<1x100x100xf32, #tpu.memory_space<hbm>> -> memref<100x100xf32, #tpu.memory_space<hbm>>
      %dma_wait3A_27 = arith.constant 0 : i32
      %dma_wait3A_28 = arith.constant 0 : i32
      %dma_wait3A_29 = tpu.memref_slice %arg8[%arg0, %dma_wait3A_27, %dma_wait3A_28] : memref<2x100x100xf32, #tpu.memory_space<hbm>> -> memref<1x100x100xf32, #tpu.memory_space<hbm>>
      %dma_wait3A_30 = tpu.memref_squeeze %dma_wait3A_29 : memref<1x100x100xf32, #tpu.memory_space<hbm>> -> memref<100x100xf32, #tpu.memory_space<hbm>>
      tpu.wait_dma2 semaphore(%run_scoped3A : memref<!tpu.dma_semaphore, #tpu.memory_space<semaphore_mem>>) src(%dma_wait3A_30 : memref<100x100xf32, #tpu.memory_space<hbm>>) dst(%arg13 : memref<100x100xf32, #tpu.memory_space<vmem>>)
      tpu.yield
    }) : () -> ()
    "tpu.region"() ({
      %run_scoped3A = tpu.sem_alloc : memref<!tpu.dma_semaphore, #tpu.memory_space<semaphore_mem>>
      tpu.enqueue_dma source(%arg9 : memref<500x16xi32, #tpu.memory_space<hbm>>) target(%arg14 : memref<500x16xi32, #tpu.memory_space<vmem>>) target_semaphore(%run_scoped3A : memref<!tpu.dma_semaphore, #tpu.memory_space<semaphore_mem>>)
      tpu.wait_dma2 semaphore(%run_scoped3A : memref<!tpu.dma_semaphore, #tpu.memory_space<semaphore_mem>>) src(%arg9 : memref<500x16xi32, #tpu.memory_space<hbm>>) dst(%arg14 : memref<500x16xi32, #tpu.memory_space<vmem>>)
      tpu.yield
    }) : () -> ()
    "tpu.region"() ({
      %run_scoped3A = tpu.sem_alloc : memref<!tpu.dma_semaphore, #tpu.memory_space<semaphore_mem>>
      tpu.enqueue_dma source(%arg10 : memref<80x112xf32, #tpu.memory_space<hbm>>) target(%arg19 : memref<80x112xf32, #tpu.memory_space<vmem>>) target_semaphore(%run_scoped3A : memref<!tpu.dma_semaphore, #tpu.memory_space<semaphore_mem>>)
      tpu.wait_dma2 semaphore(%run_scoped3A : memref<!tpu.dma_semaphore, #tpu.memory_space<semaphore_mem>>) src(%arg10 : memref<80x112xf32, #tpu.memory_space<hbm>>) dst(%arg19 : memref<80x112xf32, #tpu.memory_space<vmem>>)
      tpu.yield
    }) : () -> ()
    "tpu.region"() ({
      %run_scoped3A = tpu.sem_alloc : memref<!tpu.dma_semaphore, #tpu.memory_space<semaphore_mem>>
      tpu.enqueue_dma source(%arg10 : memref<80x112xf32, #tpu.memory_space<hbm>>) target(%arg20 : memref<80x112xf32, #tpu.memory_space<vmem>>) target_semaphore(%run_scoped3A : memref<!tpu.dma_semaphore, #tpu.memory_space<semaphore_mem>>)
      tpu.wait_dma2 semaphore(%run_scoped3A : memref<!tpu.dma_semaphore, #tpu.memory_space<semaphore_mem>>) src(%arg10 : memref<80x112xf32, #tpu.memory_space<hbm>>) dst(%arg20 : memref<80x112xf32, #tpu.memory_space<vmem>>)
      tpu.yield
    }) : () -> ()
    %iota3A = tpu.iota {dimensions = array<i32: 0>} : vector<16xi32>
    %mul3A = arith.constant 640 : i32
    %mul3A_0 = arith.muli %arg1, %mul3A : i32
    %min3A = arith.constant 9360 : i32
    %min3A_1 = arith.minsi %mul3A_0, %min3A : i32
    %scan3A = arith.constant 0 : i32
    %scan3A_2 = arith.constant 8 : i32
    %scan3A_3 = arith.addi %scan3A, %scan3A_2 : i32
    %scan3A_4 = arith.constant 1 : i32
    scf.for %scan3A_17 = %scan3A to %scan3A_3 step %scan3A_4  : i32 {
      %mul3A_18 = arith.constant 1 : i32
      %mul3A_19 = arith.muli %scan3A_17, %mul3A_18 : i32
      %add3A = arith.constant 0 : i32
      %add3A_20 = arith.addi %add3A, %mul3A_19 : i32
      %mul3A_21 = arith.constant 80 : i32
      %mul3A_22 = arith.muli %add3A_20, %mul3A_21 : i32
      %add3A_23 = arith.addi %min3A_1, %mul3A_22 : i32
      %multiple_of3A = tpu.assume_multiple %add3A_23, 8 : i32
      "tpu.region"() ({
        %run_scoped3A = tpu.sem_alloc : memref<!tpu.dma_semaphore, #tpu.memory_space<semaphore_mem>>
        %dma_start3A = arith.constant 0 : i32
        %dma_start3A_24 = arith.constant 0 : i32
        %dma_start3A_25 = tpu.memref_slice %arg19[%dma_start3A, %dma_start3A_24] : memref<80x112xf32, #tpu.memory_space<vmem>> -> memref<80x112xf32, #tpu.memory_space<vmem>>
        %dma_start3A_26 = arith.constant 0 : i32
        %dma_start3A_27 = tpu.memref_slice %arg21[%multiple_of3A, %dma_start3A_26] : memref<10000x112xf32, #tpu.memory_space<vmem_shared>> -> memref<80x112xf32, #tpu.memory_space<vmem_shared>>
        %dma_start3A_28 = arith.constant 0 : i32
        %dma_start3A_29 = tpu.memref_slice %arg21[%multiple_of3A, %dma_start3A_28] : memref<10000x112xf32, #tpu.memory_space<vmem_shared>> -> memref<80x112xf32, #tpu.memory_space<vmem_shared>>
        %dma_start3A_30 = arith.constant 0 : i32
        %dma_start3A_31 = arith.constant 0 : i32
        %dma_start3A_32 = tpu.memref_slice %arg19[%dma_start3A_30, %dma_start3A_31] : memref<80x112xf32, #tpu.memory_space<vmem>> -> memref<80x112xf32, #tpu.memory_space<vmem>>
        tpu.enqueue_dma source(%dma_start3A_32 : memref<80x112xf32, #tpu.memory_space<vmem>>) target(%dma_start3A_29 : memref<80x112xf32, #tpu.memory_space<vmem_shared>>) target_semaphore(%run_scoped3A : memref<!tpu.dma_semaphore, #tpu.memory_space<semaphore_mem>>)
        %dma_wait3A = arith.constant 0 : i32
        %dma_wait3A_33 = arith.constant 0 : i32
        %dma_wait3A_34 = tpu.memref_slice %arg19[%dma_wait3A, %dma_wait3A_33] : memref<80x112xf32, #tpu.memory_space<vmem>> -> memref<80x112xf32, #tpu.memory_space<vmem>>
        %dma_wait3A_35 = arith.constant 0 : i32
        %dma_wait3A_36 = tpu.memref_slice %arg21[%multiple_of3A, %dma_wait3A_35] : memref<10000x112xf32, #tpu.memory_space<vmem_shared>> -> memref<80x112xf32, #tpu.memory_space<vmem_shared>>
        %dma_wait3A_37 = arith.constant 0 : i32
        %dma_wait3A_38 = tpu.memref_slice %arg21[%multiple_of3A, %dma_wait3A_37] : memref<10000x112xf32, #tpu.memory_space<vmem_shared>> -> memref<80x112xf32, #tpu.memory_space<vmem_shared>>
        %dma_wait3A_39 = arith.constant 0 : i32
        %dma_wait3A_40 = arith.constant 0 : i32
        %dma_wait3A_41 = tpu.memref_slice %arg19[%dma_wait3A_39, %dma_wait3A_40] : memref<80x112xf32, #tpu.memory_space<vmem>> -> memref<80x112xf32, #tpu.memory_space<vmem>>
        tpu.wait_dma2 semaphore(%run_scoped3A : memref<!tpu.dma_semaphore, #tpu.memory_space<semaphore_mem>>) src(%dma_wait3A_41 : memref<80x112xf32, #tpu.memory_space<vmem>>) dst(%dma_wait3A_38 : memref<80x112xf32, #tpu.memory_space<vmem_shared>>)
        tpu.yield
      }) : () -> ()
    }
    %scan3A_5 = arith.constant 8 : i32
    %barrier3A = arith.constant 0 : index
    tpu.barrier barrier_id(%barrier3A)
    %scan3A_6 = arith.constant 0 : i32
    %scan3A_7 = arith.constant 125 : i32
    %scan3A_8 = arith.addi %scan3A_6, %scan3A_7 : i32
    %scan3A_9 = arith.constant 1 : i32
    scf.for %scan3A_17 = %scan3A_6 to %scan3A_8 step %scan3A_9  : i32 {
      %mul3A_18 = arith.constant 1 : i32
      %mul3A_19 = arith.muli %scan3A_17, %mul3A_18 : i32
      %add3A = arith.constant 0 : i32
      %add3A_20 = arith.addi %add3A, %mul3A_19 : i32
      %mul3A_21 = arith.constant 125 : i32
      %mul3A_22 = arith.muli %arg1, %mul3A_21 : i32
      %add3A_23 = arith.addi %mul3A_22, %add3A_20 : i32
      %dma_start3A = arith.constant 0 : i32
      %dma_start3A_24 = tpu.memref_slice %arg3[%add3A_23, %dma_start3A] : memref<2000x80xi32, #tpu.memory_space<hbm>> -> memref<1x80xi32, #tpu.memory_space<hbm>>
      %dma_start3A_25 = tpu.memref_squeeze %dma_start3A_24 : memref<1x80xi32, #tpu.memory_space<hbm>> -> memref<80xi32, #tpu.memory_space<hbm>>
      %dma_start3A_26 = arith.constant 0 : i32
      %dma_start3A_27 = tpu.memref_slice %arg3[%add3A_23, %dma_start3A_26] : memref<2000x80xi32, #tpu.memory_space<hbm>> -> memref<1x80xi32, #tpu.memory_space<hbm>>
      %dma_start3A_28 = tpu.memref_squeeze %dma_start3A_27 : memref<1x80xi32, #tpu.memory_space<hbm>> -> memref<80xi32, #tpu.memory_space<hbm>>
      tpu.enqueue_dma source(%dma_start3A_28 : memref<80xi32, #tpu.memory_space<hbm>>) target(%arg15 : memref<80xi32, #tpu.memory_space<vmem>>) target_semaphore(%arg22 : memref<!tpu.dma_semaphore, #tpu.memory_space<semaphore_mem>>)
      %dma_start3A_29 = arith.constant 0 : i32
      %dma_start3A_30 = tpu.memref_slice %arg4[%add3A_23, %dma_start3A_29] : memref<2000x80xi32, #tpu.memory_space<hbm>> -> memref<1x80xi32, #tpu.memory_space<hbm>>
      %dma_start3A_31 = tpu.memref_squeeze %dma_start3A_30 : memref<1x80xi32, #tpu.memory_space<hbm>> -> memref<80xi32, #tpu.memory_space<hbm>>
      %dma_start3A_32 = arith.constant 0 : i32
      %dma_start3A_33 = tpu.memref_slice %arg4[%add3A_23, %dma_start3A_32] : memref<2000x80xi32, #tpu.memory_space<hbm>> -> memref<1x80xi32, #tpu.memory_space<hbm>>
      %dma_start3A_34 = tpu.memref_squeeze %dma_start3A_33 : memref<1x80xi32, #tpu.memory_space<hbm>> -> memref<80xi32, #tpu.memory_space<hbm>>
      tpu.enqueue_dma source(%dma_start3A_34 : memref<80xi32, #tpu.memory_space<hbm>>) target(%arg16 : memref<80xi32, #tpu.memory_space<vmem>>) target_semaphore(%arg22 : memref<!tpu.dma_semaphore, #tpu.memory_space<semaphore_mem>>)
      %dma_start3A_35 = arith.constant 0 : i32
      %dma_start3A_36 = tpu.memref_slice %arg5[%add3A_23, %dma_start3A_35] : memref<2000x80xi32, #tpu.memory_space<hbm>> -> memref<1x80xi32, #tpu.memory_space<hbm>>
      %dma_start3A_37 = tpu.memref_squeeze %dma_start3A_36 : memref<1x80xi32, #tpu.memory_space<hbm>> -> memref<80xi32, #tpu.memory_space<hbm>>
      %dma_start3A_38 = arith.constant 0 : i32
      %dma_start3A_39 = tpu.memref_slice %arg5[%add3A_23, %dma_start3A_38] : memref<2000x80xi32, #tpu.memory_space<hbm>> -> memref<1x80xi32, #tpu.memory_space<hbm>>
      %dma_start3A_40 = tpu.memref_squeeze %dma_start3A_39 : memref<1x80xi32, #tpu.memory_space<hbm>> -> memref<80xi32, #tpu.memory_space<hbm>>
      tpu.enqueue_dma source(%dma_start3A_40 : memref<80xi32, #tpu.memory_space<hbm>>) target(%arg17 : memref<80xi32, #tpu.memory_space<vmem>>) target_semaphore(%arg22 : memref<!tpu.dma_semaphore, #tpu.memory_space<semaphore_mem>>)
      %dma_start3A_41 = arith.constant 0 : i32
      %dma_start3A_42 = tpu.memref_slice %arg6[%add3A_23, %dma_start3A_41] : memref<2000x80xf32, #tpu.memory_space<hbm>> -> memref<1x80xf32, #tpu.memory_space<hbm>>
      %dma_start3A_43 = tpu.memref_squeeze %dma_start3A_42 : memref<1x80xf32, #tpu.memory_space<hbm>> -> memref<80xf32, #tpu.memory_space<hbm>>
      %dma_start3A_44 = arith.constant 0 : i32
      %dma_start3A_45 = tpu.memref_slice %arg6[%add3A_23, %dma_start3A_44] : memref<2000x80xf32, #tpu.memory_space<hbm>> -> memref<1x80xf32, #tpu.memory_space<hbm>>
      %dma_start3A_46 = tpu.memref_squeeze %dma_start3A_45 : memref<1x80xf32, #tpu.memory_space<hbm>> -> memref<80xf32, #tpu.memory_space<hbm>>
      tpu.enqueue_dma source(%dma_start3A_46 : memref<80xf32, #tpu.memory_space<hbm>>) target(%arg18 : memref<80xf32, #tpu.memory_space<vmem>>) target_semaphore(%arg22 : memref<!tpu.dma_semaphore, #tpu.memory_space<semaphore_mem>>)
      %dma_wait3A = arith.constant 0 : i32
      %dma_wait3A_47 = tpu.memref_slice %arg3[%add3A_23, %dma_wait3A] : memref<2000x80xi32, #tpu.memory_space<hbm>> -> memref<1x80xi32, #tpu.memory_space<hbm>>
      %dma_wait3A_48 = tpu.memref_squeeze %dma_wait3A_47 : memref<1x80xi32, #tpu.memory_space<hbm>> -> memref<80xi32, #tpu.memory_space<hbm>>
      %dma_wait3A_49 = arith.constant 0 : i32
      %dma_wait3A_50 = tpu.memref_slice %arg3[%add3A_23, %dma_wait3A_49] : memref<2000x80xi32, #tpu.memory_space<hbm>> -> memref<1x80xi32, #tpu.memory_space<hbm>>
      %dma_wait3A_51 = tpu.memref_squeeze %dma_wait3A_50 : memref<1x80xi32, #tpu.memory_space<hbm>> -> memref<80xi32, #tpu.memory_space<hbm>>
      tpu.wait_dma2 semaphore(%arg22 : memref<!tpu.dma_semaphore, #tpu.memory_space<semaphore_mem>>) src(%dma_wait3A_51 : memref<80xi32, #tpu.memory_space<hbm>>) dst(%arg15 : memref<80xi32, #tpu.memory_space<vmem>>)
      %dma_wait3A_52 = arith.constant 0 : i32
      %dma_wait3A_53 = tpu.memref_slice %arg4[%add3A_23, %dma_wait3A_52] : memref<2000x80xi32, #tpu.memory_space<hbm>> -> memref<1x80xi32, #tpu.memory_space<hbm>>
      %dma_wait3A_54 = tpu.memref_squeeze %dma_wait3A_53 : memref<1x80xi32, #tpu.memory_space<hbm>> -> memref<80xi32, #tpu.memory_space<hbm>>
      %dma_wait3A_55 = arith.constant 0 : i32
      %dma_wait3A_56 = tpu.memref_slice %arg4[%add3A_23, %dma_wait3A_55] : memref<2000x80xi32, #tpu.memory_space<hbm>> -> memref<1x80xi32, #tpu.memory_space<hbm>>
      %dma_wait3A_57 = tpu.memref_squeeze %dma_wait3A_56 : memref<1x80xi32, #tpu.memory_space<hbm>> -> memref<80xi32, #tpu.memory_space<hbm>>
      tpu.wait_dma2 semaphore(%arg22 : memref<!tpu.dma_semaphore, #tpu.memory_space<semaphore_mem>>) src(%dma_wait3A_57 : memref<80xi32, #tpu.memory_space<hbm>>) dst(%arg16 : memref<80xi32, #tpu.memory_space<vmem>>)
      %dma_wait3A_58 = arith.constant 0 : i32
      %dma_wait3A_59 = tpu.memref_slice %arg5[%add3A_23, %dma_wait3A_58] : memref<2000x80xi32, #tpu.memory_space<hbm>> -> memref<1x80xi32, #tpu.memory_space<hbm>>
      %dma_wait3A_60 = tpu.memref_squeeze %dma_wait3A_59 : memref<1x80xi32, #tpu.memory_space<hbm>> -> memref<80xi32, #tpu.memory_space<hbm>>
      %dma_wait3A_61 = arith.constant 0 : i32
      %dma_wait3A_62 = tpu.memref_slice %arg5[%add3A_23, %dma_wait3A_61] : memref<2000x80xi32, #tpu.memory_space<hbm>> -> memref<1x80xi32, #tpu.memory_space<hbm>>
      %dma_wait3A_63 = tpu.memref_squeeze %dma_wait3A_62 : memref<1x80xi32, #tpu.memory_space<hbm>> -> memref<80xi32, #tpu.memory_space<hbm>>
      tpu.wait_dma2 semaphore(%arg22 : memref<!tpu.dma_semaphore, #tpu.memory_space<semaphore_mem>>) src(%dma_wait3A_63 : memref<80xi32, #tpu.memory_space<hbm>>) dst(%arg17 : memref<80xi32, #tpu.memory_space<vmem>>)
      %dma_wait3A_64 = arith.constant 0 : i32
      %dma_wait3A_65 = tpu.memref_slice %arg6[%add3A_23, %dma_wait3A_64] : memref<2000x80xf32, #tpu.memory_space<hbm>> -> memref<1x80xf32, #tpu.memory_space<hbm>>
      %dma_wait3A_66 = tpu.memref_squeeze %dma_wait3A_65 : memref<1x80xf32, #tpu.memory_space<hbm>> -> memref<80xf32, #tpu.memory_space<hbm>>
      %dma_wait3A_67 = arith.constant 0 : i32
      %dma_wait3A_68 = tpu.memref_slice %arg6[%add3A_23, %dma_wait3A_67] : memref<2000x80xf32, #tpu.memory_space<hbm>> -> memref<1x80xf32, #tpu.memory_space<hbm>>
      %dma_wait3A_69 = tpu.memref_squeeze %dma_wait3A_68 : memref<1x80xf32, #tpu.memory_space<hbm>> -> memref<80xf32, #tpu.memory_space<hbm>>
      tpu.wait_dma2 semaphore(%arg22 : memref<!tpu.dma_semaphore, #tpu.memory_space<semaphore_mem>>) src(%dma_wait3A_69 : memref<80xf32, #tpu.memory_space<hbm>>) dst(%arg18 : memref<80xf32, #tpu.memory_space<vmem>>)
      %dma_start3A_70 = arith.constant 0 : i32
      %dma_start3A_71 = arith.constant 0 : i32
      %dma_start3A_72 = tpu.memref_slice %arg2[%arg0, %dma_start3A_70, %dma_start3A_71] : memref<2x10000x112xf32, #tpu.memory_space<hbm>> -> memref<1x10000x112xf32, #tpu.memory_space<hbm>>
      %dma_start3A_73 = tpu.memref_squeeze %dma_start3A_72 : memref<1x10000x112xf32, #tpu.memory_space<hbm>> -> memref<10000x112xf32, #tpu.memory_space<hbm>>
      %dma_start3A_74 = arith.constant 0 : i32
      %dma_start3A_75 = arith.constant 0 : i32
      %dma_start3A_76 = tpu.memref_slice %dma_start3A_73[%dma_start3A_74, %dma_start3A_75] : memref<10000x112xf32, #tpu.memory_space<hbm>> -> memref<10000x112xf32, #tpu.memory_space<hbm>>
      tpu.enqueue_indirect_dma source(%dma_start3A_76 : memref<10000x112xf32, #tpu.memory_space<hbm>>) target(%arg19 : memref<80x112xf32, #tpu.memory_space<vmem>>) offsets(%arg15 : memref<80xi32, #tpu.memory_space<vmem>>) semaphore(%arg22 : memref<!tpu.dma_semaphore, #tpu.memory_space<semaphore_mem>>)
      %dma_wait3A_77 = arith.constant 0 : i32
      %dma_wait3A_78 = arith.constant 0 : i32
      %dma_wait3A_79 = tpu.memref_slice %arg2[%arg0, %dma_wait3A_77, %dma_wait3A_78] : memref<2x10000x112xf32, #tpu.memory_space<hbm>> -> memref<1x10000x112xf32, #tpu.memory_space<hbm>>
      %dma_wait3A_80 = tpu.memref_squeeze %dma_wait3A_79 : memref<1x10000x112xf32, #tpu.memory_space<hbm>> -> memref<10000x112xf32, #tpu.memory_space<hbm>>
      %dma_wait3A_81 = arith.constant 0 : i32
      %dma_wait3A_82 = arith.constant 0 : i32
      %dma_wait3A_83 = tpu.memref_slice %dma_wait3A_80[%dma_wait3A_81, %dma_wait3A_82] : memref<10000x112xf32, #tpu.memory_space<hbm>> -> memref<10000x112xf32, #tpu.memory_space<hbm>>
      tpu.wait_indirect_dma semaphore(%arg22 : memref<!tpu.dma_semaphore, #tpu.memory_space<semaphore_mem>>) src(%dma_wait3A_83 : memref<10000x112xf32, #tpu.memory_space<hbm>>) dst(%arg19 : memref<80x112xf32, #tpu.memory_space<vmem>>)
      %parallel_loop3A = arith.constant 0 : i32
      %parallel_loop3A_84 = arith.constant 500 : i32
      %parallel_loop3A_85 = arith.constant 1 : i32
      scf.for %parallel_loop3A_86 = %parallel_loop3A to %parallel_loop3A_84 step %parallel_loop3A_85  : i32 {
        %parallel_loop3A_87 = arith.index_cast %parallel_loop3A_86 : i32 to index
        %parallel_loop3A_88 = arith.constant 0 : index
        %parallel_loop3A_89 = tpu.vector_load %arg14[%parallel_loop3A_87, %parallel_loop3A_88] {strides = array<i32>} : memref<500x16xi32, #tpu.memory_space<vmem>>, vector<16xi32>,
        %parallel_loop3A_90 = arith.constant 16 : i32
        %parallel_loop3A_91 = arith.muli %parallel_loop3A_86, %parallel_loop3A_90 : i32
        %parallel_loop3A_92 = vector.broadcast %parallel_loop3A_91 : i32 to vector<16xi32>
        %parallel_loop3A_93 = arith.addi %parallel_loop3A_92, %iota3A : vector<16xi32>
        %parallel_loop3A_94 = arith.constant 100 : i32
        %parallel_loop3A_95 = vector.broadcast %parallel_loop3A_94 : i32 to vector<16xi32>
        %parallel_loop3A_96 = arith.muli %parallel_loop3A_89, %parallel_loop3A_95 : vector<16xi32>
        %parallel_loop3A_97 = arith.subi %parallel_loop3A_93, %parallel_loop3A_96 : vector<16xi32>
        %parallel_loop3A_98 = tpu.vector_load_idx %arg17[%parallel_loop3A_89] : memref<80xi32, #tpu.memory_space<vmem>>[vector<16xi32>], vector<16xi32>,
        %parallel_loop3A_99 = tpu.vector_load_idx %arg18[%parallel_loop3A_89] : memref<80xf32, #tpu.memory_space<vmem>>[vector<16xi32>], vector<16xf32>,
        %parallel_loop3A_100 = tpu.vector_load_idx %arg19[%parallel_loop3A_89, %parallel_loop3A_97] : memref<80x112xf32, #tpu.memory_space<vmem>>[vector<16xi32>, vector<16xi32>], vector<16xf32>,
        %parallel_loop3A_101 = arith.constant 1 : i32
        %parallel_loop3A_102 = vector.broadcast %parallel_loop3A_101 : i32 to vector<16xi32>
        %parallel_loop3A_103 = arith.xori %parallel_loop3A_97, %parallel_loop3A_102 : vector<16xi32>
        %parallel_loop3A_104 = tpu.vector_load_idx %arg19[%parallel_loop3A_89, %parallel_loop3A_103] : memref<80x112xf32, #tpu.memory_space<vmem>>[vector<16xi32>, vector<16xi32>], vector<16xf32>,
        %parallel_loop3A_105 = tpu.vector_load_idx %arg12[%parallel_loop3A_98, %parallel_loop3A_97] : memref<100x100xf32, #tpu.memory_space<vmem>>[vector<16xi32>, vector<16xi32>], vector<16xf32>,
        %parallel_loop3A_106 = tpu.vector_load_idx %arg13[%parallel_loop3A_98, %parallel_loop3A_97] : memref<100x100xf32, #tpu.memory_space<vmem>>[vector<16xi32>, vector<16xi32>], vector<16xf32>,
        %parallel_loop3A_107 = arith.mulf %parallel_loop3A_100, %parallel_loop3A_105 : vector<16xf32>
        %parallel_loop3A_108 = arith.mulf %parallel_loop3A_104, %parallel_loop3A_106 : vector<16xf32>
        %parallel_loop3A_109 = arith.addf %parallel_loop3A_107, %parallel_loop3A_108 : vector<16xf32>
        %parallel_loop3A_110 = arith.mulf %parallel_loop3A_109, %parallel_loop3A_99 : vector<16xf32>
        tpu.vector_store_idx %arg20[%parallel_loop3A_89, %parallel_loop3A_97], %parallel_loop3A_110 : memref<80x112xf32, #tpu.memory_space<vmem>>[vector<16xi32>, vector<16xi32>], vector<16xf32>,
      } {sc.loop_unroll_factor = 4 : i64, sc.parallel_access}
      "tpu.region"() ({
        %run_scoped3A = tpu.sem_alloc : memref<!tpu.dma_semaphore, #tpu.memory_space<semaphore_mem>>
        %dma_start3A_86 = arith.constant 0 : i32
        %dma_start3A_87 = arith.constant 0 : i32
        %dma_start3A_88 = tpu.memref_slice %arg21[%dma_start3A_86, %dma_start3A_87] : memref<10000x112xf32, #tpu.memory_space<vmem_shared>> -> memref<10000x112xf32, #tpu.memory_space<vmem_shared>>
        tpu.enqueue_indirect_dma source(%arg20 : memref<80x112xf32, #tpu.memory_space<vmem>>) target(%dma_start3A_88 : memref<10000x112xf32, #tpu.memory_space<vmem_shared>>) offsets(%arg16 : memref<80xi32, #tpu.memory_space<vmem>>) semaphore(%run_scoped3A : memref<!tpu.dma_semaphore, #tpu.memory_space<semaphore_mem>>) {add = true}
        %dma_wait3A_89 = arith.constant 0 : i32
        %dma_wait3A_90 = arith.constant 0 : i32
        %dma_wait3A_91 = tpu.memref_slice %arg21[%dma_wait3A_89, %dma_wait3A_90] : memref<10000x112xf32, #tpu.memory_space<vmem_shared>> -> memref<10000x112xf32, #tpu.memory_space<vmem_shared>>
        tpu.wait_indirect_dma semaphore(%run_scoped3A : memref<!tpu.dma_semaphore, #tpu.memory_space<semaphore_mem>>) src(%arg20 : memref<80x112xf32, #tpu.memory_space<vmem>>) dst(%dma_wait3A_91 : memref<10000x112xf32, #tpu.memory_space<vmem_shared>>)
        tpu.yield
      }) : () -> ()
    }
    %scan3A_10 = arith.constant 125 : i32
    %barrier3A_11 = arith.constant 0 : index
    tpu.barrier barrier_id(%barrier3A_11)
    %scan3A_12 = arith.constant 0 : i32
    %scan3A_13 = arith.constant 8 : i32
    %scan3A_14 = arith.addi %scan3A_12, %scan3A_13 : i32
    %scan3A_15 = arith.constant 1 : i32
    scf.for %scan3A_17 = %scan3A_12 to %scan3A_14 step %scan3A_15  : i32 {
      %mul3A_18 = arith.constant 1 : i32
      %mul3A_19 = arith.muli %scan3A_17, %mul3A_18 : i32
      %add3A = arith.constant 0 : i32
      %add3A_20 = arith.addi %add3A, %mul3A_19 : i32
      %mul3A_21 = arith.constant 80 : i32
      %mul3A_22 = arith.muli %add3A_20, %mul3A_21 : i32
      %add3A_23 = arith.addi %min3A_1, %mul3A_22 : i32
      %multiple_of3A = tpu.assume_multiple %add3A_23, 8 : i32
      "tpu.region"() ({
        %run_scoped3A = tpu.sem_alloc : memref<!tpu.dma_semaphore, #tpu.memory_space<semaphore_mem>>
        %dma_start3A = arith.constant 0 : i32
        %dma_start3A_24 = tpu.memref_slice %arg11[%arg0, %multiple_of3A, %dma_start3A] : memref<2x10000x112xf32, #tpu.memory_space<hbm>> -> memref<1x80x112xf32, #tpu.memory_space<hbm>>
        %dma_start3A_25 = tpu.memref_squeeze %dma_start3A_24 : memref<1x80x112xf32, #tpu.memory_space<hbm>> -> memref<80x112xf32, #tpu.memory_space<hbm>>
        %dma_start3A_26 = arith.constant 0 : i32
        %dma_start3A_27 = tpu.memref_slice %arg21[%multiple_of3A, %dma_start3A_26] : memref<10000x112xf32, #tpu.memory_space<vmem_shared>> -> memref<80x112xf32, #tpu.memory_space<vmem_shared>>
        tpu.enqueue_dma source(%dma_start3A_27 : memref<80x112xf32, #tpu.memory_space<vmem_shared>>) target(%dma_start3A_25 : memref<80x112xf32, #tpu.memory_space<hbm>>) target_semaphore(%run_scoped3A : memref<!tpu.dma_semaphore, #tpu.memory_space<semaphore_mem>>)
        %dma_wait3A = arith.constant 0 : i32
        %dma_wait3A_28 = tpu.memref_slice %arg11[%arg0, %multiple_of3A, %dma_wait3A] : memref<2x10000x112xf32, #tpu.memory_space<hbm>> -> memref<1x80x112xf32, #tpu.memory_space<hbm>>
        %dma_wait3A_29 = tpu.memref_squeeze %dma_wait3A_28 : memref<1x80x112xf32, #tpu.memory_space<hbm>> -> memref<80x112xf32, #tpu.memory_space<hbm>>
        %dma_wait3A_30 = arith.constant 0 : i32
        %dma_wait3A_31 = tpu.memref_slice %arg21[%multiple_of3A, %dma_wait3A_30] : memref<10000x112xf32, #tpu.memory_space<vmem_shared>> -> memref<80x112xf32, #tpu.memory_space<vmem_shared>>
        tpu.wait_dma2 semaphore(%run_scoped3A : memref<!tpu.dma_semaphore, #tpu.memory_space<semaphore_mem>>) src(%dma_wait3A_31 : memref<80x112xf32, #tpu.memory_space<vmem_shared>>) dst(%dma_wait3A_29 : memref<80x112xf32, #tpu.memory_space<hbm>>)
        tpu.yield
      }) : () -> ()
    }
    %scan3A_16 = arith.constant 8 : i32
    return
  }
}

#map = affine_map<(d0, d1) -> (0, 0, 0)>
#map1 = affine_map<(d0, d1) -> (0, 0)>
module attributes {stable_mosaic.version = 14 : i64} {
  func.func @k(%arg0: i32, %arg1: i32, %arg2: memref<2x10000x112xf32, #tpu.memory_space<hbm>>, %arg3: memref<2000x80xi32, #tpu.memory_space<hbm>>, %arg4: memref<2000x80xi32, #tpu.memory_space<hbm>>, %arg5: memref<2000x80xi32, #tpu.memory_space<hbm>>, %arg6: memref<2000x80xf32, #tpu.memory_space<hbm>>, %arg7: memref<2x100x100xf32, #tpu.memory_space<hbm>>, %arg8: memref<2x100x100xf32, #tpu.memory_space<hbm>>, %arg9: memref<500x16xi32, #tpu.memory_space<hbm>>, %arg10: memref<80x112xf32, #tpu.memory_space<hbm>>, %arg11: memref<2x10000x112xf32, #tpu.memory_space<hbm>>, %arg12: memref<100x100xf32, #tpu.memory_space<vmem>>, %arg13: memref<100x100xf32, #tpu.memory_space<vmem>>, %arg14: memref<500x16xi32, #tpu.memory_space<vmem>>, %arg15: memref<80xi32, #tpu.memory_space<vmem>>, %arg16: memref<80xi32, #tpu.memory_space<vmem>>, %arg17: memref<80xi32, #tpu.memory_space<vmem>>, %arg18: memref<80xf32, #tpu.memory_space<vmem>>, %arg19: memref<80x112xf32, #tpu.memory_space<vmem>>, %arg20: memref<80x112xf32, #tpu.memory_space<vmem>>, %arg21: memref<10000x112xf32, #tpu.memory_space<vmem_shared>>, %arg22: memref<!tpu.dma_semaphore, #tpu.memory_space<semaphore_mem>>) attributes {dimension_semantics = [#tpu.dimension_semantics<core_parallel>, #tpu.dimension_semantics<subcore_parallel>], iteration_bounds = array<i64: 2, 16>, scalar_prefetch = 0 : i64, scratch_operands = 11 : i64, tpu.core_type = #tpu.core_type<sc_vector_subcore>, window_params = [{transform_indices = #map}, {transform_indices = #map1}, {transform_indices = #map1}, {transform_indices = #map1}, {transform_indices = #map1}, {transform_indices = #map}, {transform_indices = #map}, {transform_indices = #map1}, {transform_indices = #map1}, {transform_indices = #map}]} {
    "tpu.region"() ({
      %run_scoped3A = tpu.sem_alloc : memref<!tpu.dma_semaphore, #tpu.memory_space<semaphore_mem>>
      %dma_start3A = arith.constant 0 : i32
      %dma_start3A_17 = arith.constant 0 : i32
      %dma_start3A_18 = tpu.memref_slice %arg7[%arg0, %dma_start3A, %dma_start3A_17] : memref<2x100x100xf32, #tpu.memory_space<hbm>> -> memref<1x100x100xf32, #tpu.memory_space<hbm>>
      %dma_start3A_19 = tpu.memref_squeeze %dma_start3A_18 : memref<1x100x100xf32, #tpu.memory_space<hbm>> -> memref<100x100xf32, #tpu.memory_space<hbm>>
      %dma_start3A_20 = arith.constant 0 : i32
      %dma_start3A_21 = arith.constant 0 : i32
      %dma_start3A_22 = tpu.memref_slice %arg7[%arg0, %dma_start3A_20, %dma_start3A_21] : memref<2x100x100xf32, #tpu.memory_space<hbm>> -> memref<1x100x100xf32, #tpu.memory_space<hbm>>
      %dma_start3A_23 = tpu.memref_squeeze %dma_start3A_22 : memref<1x100x100xf32, #tpu.memory_space<hbm>> -> memref<100x100xf32, #tpu.memory_space<hbm>>
      tpu.enqueue_dma source(%dma_start3A_23 : memref<100x100xf32, #tpu.memory_space<hbm>>) target(%arg12 : memref<100x100xf32, #tpu.memory_space<vmem>>) target_semaphore(%run_scoped3A : memref<!tpu.dma_semaphore, #tpu.memory_space<semaphore_mem>>)
      %dma_wait3A = arith.constant 0 : i32
      %dma_wait3A_24 = arith.constant 0 : i32
      %dma_wait3A_25 = tpu.memref_slice %arg7[%arg0, %dma_wait3A, %dma_wait3A_24] : memref<2x100x100xf32, #tpu.memory_space<hbm>> -> memref<1x100x100xf32, #tpu.memory_space<hbm>>
      %dma_wait3A_26 = tpu.memref_squeeze %dma_wait3A_25 : memref<1x100x100xf32, #tpu.memory_space<hbm>> -> memref<100x100xf32, #tpu.memory_space<hbm>>
      %dma_wait3A_27 = arith.constant 0 : i32
      %dma_wait3A_28 = arith.constant 0 : i32
      %dma_wait3A_29 = tpu.memref_slice %arg7[%arg0, %dma_wait3A_27, %dma_wait3A_28] : memref<2x100x100xf32, #tpu.memory_space<hbm>> -> memref<1x100x100xf32, #tpu.memory_space<hbm>>
      %dma_wait3A_30 = tpu.memref_squeeze %dma_wait3A_29 : memref<1x100x100xf32, #tpu.memory_space<hbm>> -> memref<100x100xf32, #tpu.memory_space<hbm>>
      tpu.wait_dma2 semaphore(%run_scoped3A : memref<!tpu.dma_semaphore, #tpu.memory_space<semaphore_mem>>) src(%dma_wait3A_30 : memref<100x100xf32, #tpu.memory_space<hbm>>) dst(%arg12 : memref<100x100xf32, #tpu.memory_space<vmem>>)
      tpu.yield
    }) : () -> ()
    "tpu.region"() ({
      %run_scoped3A = tpu.sem_alloc : memref<!tpu.dma_semaphore, #tpu.memory_space<semaphore_mem>>
      %dma_start3A = arith.constant 0 : i32
      %dma_start3A_17 = arith.constant 0 : i32
      %dma_start3A_18 = tpu.memref_slice %arg8[%arg0, %dma_start3A, %dma_start3A_17] : memref<2x100x100xf32, #tpu.memory_space<hbm>> -> memref<1x100x100xf32, #tpu.memory_space<hbm>>
      %dma_start3A_19 = tpu.memref_squeeze %dma_start3A_18 : memref<1x100x100xf32, #tpu.memory_space<hbm>> -> memref<100x100xf32, #tpu.memory_space<hbm>>
      %dma_start3A_20 = arith.constant 0 : i32
      %dma_start3A_21 = arith.constant 0 : i32
      %dma_start3A_22 = tpu.memref_slice %arg8[%arg0, %dma_start3A_20, %dma_start3A_21] : memref<2x100x100xf32, #tpu.memory_space<hbm>> -> memref<1x100x100xf32, #tpu.memory_space<hbm>>
      %dma_start3A_23 = tpu.memref_squeeze %dma_start3A_22 : memref<1x100x100xf32, #tpu.memory_space<hbm>> -> memref<100x100xf32, #tpu.memory_space<hbm>>
      tpu.enqueue_dma source(%dma_start3A_23 : memref<100x100xf32, #tpu.memory_space<hbm>>) target(%arg13 : memref<100x100xf32, #tpu.memory_space<vmem>>) target_semaphore(%run_scoped3A : memref<!tpu.dma_semaphore, #tpu.memory_space<semaphore_mem>>)
      %dma_wait3A = arith.constant 0 : i32
      %dma_wait3A_24 = arith.constant 0 : i32
      %dma_wait3A_25 = tpu.memref_slice %arg8[%arg0, %dma_wait3A, %dma_wait3A_24] : memref<2x100x100xf32, #tpu.memory_space<hbm>> -> memref<1x100x100xf32, #tpu.memory_space<hbm>>
      %dma_wait3A_26 = tpu.memref_squeeze %dma_wait3A_25 : memref<1x100x100xf32, #tpu.memory_space<hbm>> -> memref<100x100xf32, #tpu.memory_space<hbm>>
      %dma_wait3A_27 = arith.constant 0 : i32
      %dma_wait3A_28 = arith.constant 0 : i32
      %dma_wait3A_29 = tpu.memref_slice %arg8[%arg0, %dma_wait3A_27, %dma_wait3A_28] : memref<2x100x100xf32, #tpu.memory_space<hbm>> -> memref<1x100x100xf32, #tpu.memory_space<hbm>>
      %dma_wait3A_30 = tpu.memref_squeeze %dma_wait3A_29 : memref<1x100x100xf32, #tpu.memory_space<hbm>> -> memref<100x100xf32, #tpu.memory_space<hbm>>
      tpu.wait_dma2 semaphore(%run_scoped3A : memref<!tpu.dma_semaphore, #tpu.memory_space<semaphore_mem>>) src(%dma_wait3A_30 : memref<100x100xf32, #tpu.memory_space<hbm>>) dst(%arg13 : memref<100x100xf32, #tpu.memory_space<vmem>>)
      tpu.yield
    }) : () -> ()
    "tpu.region"() ({
      %run_scoped3A = tpu.sem_alloc : memref<!tpu.dma_semaphore, #tpu.memory_space<semaphore_mem>>
      tpu.enqueue_dma source(%arg9 : memref<500x16xi32, #tpu.memory_space<hbm>>) target(%arg14 : memref<500x16xi32, #tpu.memory_space<vmem>>) target_semaphore(%run_scoped3A : memref<!tpu.dma_semaphore, #tpu.memory_space<semaphore_mem>>)
      tpu.wait_dma2 semaphore(%run_scoped3A : memref<!tpu.dma_semaphore, #tpu.memory_space<semaphore_mem>>) src(%arg9 : memref<500x16xi32, #tpu.memory_space<hbm>>) dst(%arg14 : memref<500x16xi32, #tpu.memory_space<vmem>>)
      tpu.yield
    }) : () -> ()
    "tpu.region"() ({
      %run_scoped3A = tpu.sem_alloc : memref<!tpu.dma_semaphore, #tpu.memory_space<semaphore_mem>>
      tpu.enqueue_dma source(%arg10 : memref<80x112xf32, #tpu.memory_space<hbm>>) target(%arg19 : memref<80x112xf32, #tpu.memory_space<vmem>>) target_semaphore(%run_scoped3A : memref<!tpu.dma_semaphore, #tpu.memory_space<semaphore_mem>>)
      tpu.wait_dma2 semaphore(%run_scoped3A : memref<!tpu.dma_semaphore, #tpu.memory_space<semaphore_mem>>) src(%arg10 : memref<80x112xf32, #tpu.memory_space<hbm>>) dst(%arg19 : memref<80x112xf32, #tpu.memory_space<vmem>>)
      tpu.yield
    }) : () -> ()
    "tpu.region"() ({
      %run_scoped3A = tpu.sem_alloc : memref<!tpu.dma_semaphore, #tpu.memory_space<semaphore_mem>>
      tpu.enqueue_dma source(%arg10 : memref<80x112xf32, #tpu.memory_space<hbm>>) target(%arg20 : memref<80x112xf32, #tpu.memory_space<vmem>>) target_semaphore(%run_scoped3A : memref<!tpu.dma_semaphore, #tpu.memory_space<semaphore_mem>>)
      tpu.wait_dma2 semaphore(%run_scoped3A : memref<!tpu.dma_semaphore, #tpu.memory_space<semaphore_mem>>) src(%arg10 : memref<80x112xf32, #tpu.memory_space<hbm>>) dst(%arg20 : memref<80x112xf32, #tpu.memory_space<vmem>>)
      tpu.yield
    }) : () -> ()
    %iota3A = tpu.iota {dimensions = array<i32: 0>} : vector<16xi32>
    %mul3A = arith.constant 640 : i32
    %mul3A_0 = arith.muli %arg1, %mul3A : i32
    %min3A = arith.constant 9360 : i32
    %min3A_1 = arith.minsi %mul3A_0, %min3A : i32
    %scan3A = arith.constant 0 : i32
    %scan3A_2 = arith.constant 8 : i32
    %scan3A_3 = arith.addi %scan3A, %scan3A_2 : i32
    %scan3A_4 = arith.constant 1 : i32
    scf.for %scan3A_17 = %scan3A to %scan3A_3 step %scan3A_4  : i32 {
      %mul3A_18 = arith.constant 1 : i32
      %mul3A_19 = arith.muli %scan3A_17, %mul3A_18 : i32
      %add3A = arith.constant 0 : i32
      %add3A_20 = arith.addi %add3A, %mul3A_19 : i32
      %mul3A_21 = arith.constant 80 : i32
      %mul3A_22 = arith.muli %add3A_20, %mul3A_21 : i32
      %add3A_23 = arith.addi %min3A_1, %mul3A_22 : i32
      %multiple_of3A = tpu.assume_multiple %add3A_23, 8 : i32
      "tpu.region"() ({
        %run_scoped3A = tpu.sem_alloc : memref<!tpu.dma_semaphore, #tpu.memory_space<semaphore_mem>>
        %dma_start3A = arith.constant 0 : i32
        %dma_start3A_24 = arith.constant 0 : i32
        %dma_start3A_25 = tpu.memref_slice %arg19[%dma_start3A, %dma_start3A_24] : memref<80x112xf32, #tpu.memory_space<vmem>> -> memref<80x112xf32, #tpu.memory_space<vmem>>
        %dma_start3A_26 = arith.constant 0 : i32
        %dma_start3A_27 = tpu.memref_slice %arg21[%multiple_of3A, %dma_start3A_26] : memref<10000x112xf32, #tpu.memory_space<vmem_shared>> -> memref<80x112xf32, #tpu.memory_space<vmem_shared>>
        %dma_start3A_28 = arith.constant 0 : i32
        %dma_start3A_29 = tpu.memref_slice %arg21[%multiple_of3A, %dma_start3A_28] : memref<10000x112xf32, #tpu.memory_space<vmem_shared>> -> memref<80x112xf32, #tpu.memory_space<vmem_shared>>
        %dma_start3A_30 = arith.constant 0 : i32
        %dma_start3A_31 = arith.constant 0 : i32
        %dma_start3A_32 = tpu.memref_slice %arg19[%dma_start3A_30, %dma_start3A_31] : memref<80x112xf32, #tpu.memory_space<vmem>> -> memref<80x112xf32, #tpu.memory_space<vmem>>
        tpu.enqueue_dma source(%dma_start3A_32 : memref<80x112xf32, #tpu.memory_space<vmem>>) target(%dma_start3A_29 : memref<80x112xf32, #tpu.memory_space<vmem_shared>>) target_semaphore(%run_scoped3A : memref<!tpu.dma_semaphore, #tpu.memory_space<semaphore_mem>>)
        %dma_wait3A = arith.constant 0 : i32
        %dma_wait3A_33 = arith.constant 0 : i32
        %dma_wait3A_34 = tpu.memref_slice %arg19[%dma_wait3A, %dma_wait3A_33] : memref<80x112xf32, #tpu.memory_space<vmem>> -> memref<80x112xf32, #tpu.memory_space<vmem>>
        %dma_wait3A_35 = arith.constant 0 : i32
        %dma_wait3A_36 = tpu.memref_slice %arg21[%multiple_of3A, %dma_wait3A_35] : memref<10000x112xf32, #tpu.memory_space<vmem_shared>> -> memref<80x112xf32, #tpu.memory_space<vmem_shared>>
        %dma_wait3A_37 = arith.constant 0 : i32
        %dma_wait3A_38 = tpu.memref_slice %arg21[%multiple_of3A, %dma_wait3A_37] : memref<10000x112xf32, #tpu.memory_space<vmem_shared>> -> memref<80x112xf32, #tpu.memory_space<vmem_shared>>
        %dma_wait3A_39 = arith.constant 0 : i32
        %dma_wait3A_40 = arith.constant 0 : i32
        %dma_wait3A_41 = tpu.memref_slice %arg19[%dma_wait3A_39, %dma_wait3A_40] : memref<80x112xf32, #tpu.memory_space<vmem>> -> memref<80x112xf32, #tpu.memory_space<vmem>>
        tpu.wait_dma2 semaphore(%run_scoped3A : memref<!tpu.dma_semaphore, #tpu.memory_space<semaphore_mem>>) src(%dma_wait3A_41 : memref<80x112xf32, #tpu.memory_space<vmem>>) dst(%dma_wait3A_38 : memref<80x112xf32, #tpu.memory_space<vmem_shared>>)
        tpu.yield
      }) : () -> ()
    }
    %scan3A_5 = arith.constant 8 : i32
    %barrier3A = arith.constant 0 : index
    tpu.barrier barrier_id(%barrier3A)
    %scan3A_6 = arith.constant 0 : i32
    %scan3A_7 = arith.constant 125 : i32
    %scan3A_8 = arith.addi %scan3A_6, %scan3A_7 : i32
    %scan3A_9 = arith.constant 1 : i32
    scf.for %scan3A_17 = %scan3A_6 to %scan3A_8 step %scan3A_9  : i32 {
      %mul3A_18 = arith.constant 1 : i32
      %mul3A_19 = arith.muli %scan3A_17, %mul3A_18 : i32
      %add3A = arith.constant 0 : i32
      %add3A_20 = arith.addi %add3A, %mul3A_19 : i32
      %mul3A_21 = arith.constant 125 : i32
      %mul3A_22 = arith.muli %arg1, %mul3A_21 : i32
      %add3A_23 = arith.addi %mul3A_22, %add3A_20 : i32
      %dma_start3A = arith.constant 0 : i32
      %dma_start3A_24 = tpu.memref_slice %arg3[%add3A_23, %dma_start3A] : memref<2000x80xi32, #tpu.memory_space<hbm>> -> memref<1x80xi32, #tpu.memory_space<hbm>>
      %dma_start3A_25 = tpu.memref_squeeze %dma_start3A_24 : memref<1x80xi32, #tpu.memory_space<hbm>> -> memref<80xi32, #tpu.memory_space<hbm>>
      %dma_start3A_26 = arith.constant 0 : i32
      %dma_start3A_27 = tpu.memref_slice %arg3[%add3A_23, %dma_start3A_26] : memref<2000x80xi32, #tpu.memory_space<hbm>> -> memref<1x80xi32, #tpu.memory_space<hbm>>
      %dma_start3A_28 = tpu.memref_squeeze %dma_start3A_27 : memref<1x80xi32, #tpu.memory_space<hbm>> -> memref<80xi32, #tpu.memory_space<hbm>>
      tpu.enqueue_dma source(%dma_start3A_28 : memref<80xi32, #tpu.memory_space<hbm>>) target(%arg15 : memref<80xi32, #tpu.memory_space<vmem>>) target_semaphore(%arg22 : memref<!tpu.dma_semaphore, #tpu.memory_space<semaphore_mem>>)
      %dma_start3A_29 = arith.constant 0 : i32
      %dma_start3A_30 = tpu.memref_slice %arg4[%add3A_23, %dma_start3A_29] : memref<2000x80xi32, #tpu.memory_space<hbm>> -> memref<1x80xi32, #tpu.memory_space<hbm>>
      %dma_start3A_31 = tpu.memref_squeeze %dma_start3A_30 : memref<1x80xi32, #tpu.memory_space<hbm>> -> memref<80xi32, #tpu.memory_space<hbm>>
      %dma_start3A_32 = arith.constant 0 : i32
      %dma_start3A_33 = tpu.memref_slice %arg4[%add3A_23, %dma_start3A_32] : memref<2000x80xi32, #tpu.memory_space<hbm>> -> memref<1x80xi32, #tpu.memory_space<hbm>>
      %dma_start3A_34 = tpu.memref_squeeze %dma_start3A_33 : memref<1x80xi32, #tpu.memory_space<hbm>> -> memref<80xi32, #tpu.memory_space<hbm>>
      tpu.enqueue_dma source(%dma_start3A_34 : memref<80xi32, #tpu.memory_space<hbm>>) target(%arg16 : memref<80xi32, #tpu.memory_space<vmem>>) target_semaphore(%arg22 : memref<!tpu.dma_semaphore, #tpu.memory_space<semaphore_mem>>)
      %dma_start3A_35 = arith.constant 0 : i32
      %dma_start3A_36 = tpu.memref_slice %arg5[%add3A_23, %dma_start3A_35] : memref<2000x80xi32, #tpu.memory_space<hbm>> -> memref<1x80xi32, #tpu.memory_space<hbm>>
      %dma_start3A_37 = tpu.memref_squeeze %dma_start3A_36 : memref<1x80xi32, #tpu.memory_space<hbm>> -> memref<80xi32, #tpu.memory_space<hbm>>
      %dma_start3A_38 = arith.constant 0 : i32
      %dma_start3A_39 = tpu.memref_slice %arg5[%add3A_23, %dma_start3A_38] : memref<2000x80xi32, #tpu.memory_space<hbm>> -> memref<1x80xi32, #tpu.memory_space<hbm>>
      %dma_start3A_40 = tpu.memref_squeeze %dma_start3A_39 : memref<1x80xi32, #tpu.memory_space<hbm>> -> memref<80xi32, #tpu.memory_space<hbm>>
      tpu.enqueue_dma source(%dma_start3A_40 : memref<80xi32, #tpu.memory_space<hbm>>) target(%arg17 : memref<80xi32, #tpu.memory_space<vmem>>) target_semaphore(%arg22 : memref<!tpu.dma_semaphore, #tpu.memory_space<semaphore_mem>>)
      %dma_start3A_41 = arith.constant 0 : i32
      %dma_start3A_42 = tpu.memref_slice %arg6[%add3A_23, %dma_start3A_41] : memref<2000x80xf32, #tpu.memory_space<hbm>> -> memref<1x80xf32, #tpu.memory_space<hbm>>
      %dma_start3A_43 = tpu.memref_squeeze %dma_start3A_42 : memref<1x80xf32, #tpu.memory_space<hbm>> -> memref<80xf32, #tpu.memory_space<hbm>>
      %dma_start3A_44 = arith.constant 0 : i32
      %dma_start3A_45 = tpu.memref_slice %arg6[%add3A_23, %dma_start3A_44] : memref<2000x80xf32, #tpu.memory_space<hbm>> -> memref<1x80xf32, #tpu.memory_space<hbm>>
      %dma_start3A_46 = tpu.memref_squeeze %dma_start3A_45 : memref<1x80xf32, #tpu.memory_space<hbm>> -> memref<80xf32, #tpu.memory_space<hbm>>
      tpu.enqueue_dma source(%dma_start3A_46 : memref<80xf32, #tpu.memory_space<hbm>>) target(%arg18 : memref<80xf32, #tpu.memory_space<vmem>>) target_semaphore(%arg22 : memref<!tpu.dma_semaphore, #tpu.memory_space<semaphore_mem>>)
      %dma_wait3A = arith.constant 0 : i32
      %dma_wait3A_47 = tpu.memref_slice %arg3[%add3A_23, %dma_wait3A] : memref<2000x80xi32, #tpu.memory_space<hbm>> -> memref<1x80xi32, #tpu.memory_space<hbm>>
      %dma_wait3A_48 = tpu.memref_squeeze %dma_wait3A_47 : memref<1x80xi32, #tpu.memory_space<hbm>> -> memref<80xi32, #tpu.memory_space<hbm>>
      %dma_wait3A_49 = arith.constant 0 : i32
      %dma_wait3A_50 = tpu.memref_slice %arg3[%add3A_23, %dma_wait3A_49] : memref<2000x80xi32, #tpu.memory_space<hbm>> -> memref<1x80xi32, #tpu.memory_space<hbm>>
      %dma_wait3A_51 = tpu.memref_squeeze %dma_wait3A_50 : memref<1x80xi32, #tpu.memory_space<hbm>> -> memref<80xi32, #tpu.memory_space<hbm>>
      tpu.wait_dma2 semaphore(%arg22 : memref<!tpu.dma_semaphore, #tpu.memory_space<semaphore_mem>>) src(%dma_wait3A_51 : memref<80xi32, #tpu.memory_space<hbm>>) dst(%arg15 : memref<80xi32, #tpu.memory_space<vmem>>)
      %dma_wait3A_52 = arith.constant 0 : i32
      %dma_wait3A_53 = tpu.memref_slice %arg4[%add3A_23, %dma_wait3A_52] : memref<2000x80xi32, #tpu.memory_space<hbm>> -> memref<1x80xi32, #tpu.memory_space<hbm>>
      %dma_wait3A_54 = tpu.memref_squeeze %dma_wait3A_53 : memref<1x80xi32, #tpu.memory_space<hbm>> -> memref<80xi32, #tpu.memory_space<hbm>>
      %dma_wait3A_55 = arith.constant 0 : i32
      %dma_wait3A_56 = tpu.memref_slice %arg4[%add3A_23, %dma_wait3A_55] : memref<2000x80xi32, #tpu.memory_space<hbm>> -> memref<1x80xi32, #tpu.memory_space<hbm>>
      %dma_wait3A_57 = tpu.memref_squeeze %dma_wait3A_56 : memref<1x80xi32, #tpu.memory_space<hbm>> -> memref<80xi32, #tpu.memory_space<hbm>>
      tpu.wait_dma2 semaphore(%arg22 : memref<!tpu.dma_semaphore, #tpu.memory_space<semaphore_mem>>) src(%dma_wait3A_57 : memref<80xi32, #tpu.memory_space<hbm>>) dst(%arg16 : memref<80xi32, #tpu.memory_space<vmem>>)
      %dma_wait3A_58 = arith.constant 0 : i32
      %dma_wait3A_59 = tpu.memref_slice %arg5[%add3A_23, %dma_wait3A_58] : memref<2000x80xi32, #tpu.memory_space<hbm>> -> memref<1x80xi32, #tpu.memory_space<hbm>>
      %dma_wait3A_60 = tpu.memref_squeeze %dma_wait3A_59 : memref<1x80xi32, #tpu.memory_space<hbm>> -> memref<80xi32, #tpu.memory_space<hbm>>
      %dma_wait3A_61 = arith.constant 0 : i32
      %dma_wait3A_62 = tpu.memref_slice %arg5[%add3A_23, %dma_wait3A_61] : memref<2000x80xi32, #tpu.memory_space<hbm>> -> memref<1x80xi32, #tpu.memory_space<hbm>>
      %dma_wait3A_63 = tpu.memref_squeeze %dma_wait3A_62 : memref<1x80xi32, #tpu.memory_space<hbm>> -> memref<80xi32, #tpu.memory_space<hbm>>
      tpu.wait_dma2 semaphore(%arg22 : memref<!tpu.dma_semaphore, #tpu.memory_space<semaphore_mem>>) src(%dma_wait3A_63 : memref<80xi32, #tpu.memory_space<hbm>>) dst(%arg17 : memref<80xi32, #tpu.memory_space<vmem>>)
      %dma_wait3A_64 = arith.constant 0 : i32
      %dma_wait3A_65 = tpu.memref_slice %arg6[%add3A_23, %dma_wait3A_64] : memref<2000x80xf32, #tpu.memory_space<hbm>> -> memref<1x80xf32, #tpu.memory_space<hbm>>
      %dma_wait3A_66 = tpu.memref_squeeze %dma_wait3A_65 : memref<1x80xf32, #tpu.memory_space<hbm>> -> memref<80xf32, #tpu.memory_space<hbm>>
      %dma_wait3A_67 = arith.constant 0 : i32
      %dma_wait3A_68 = tpu.memref_slice %arg6[%add3A_23, %dma_wait3A_67] : memref<2000x80xf32, #tpu.memory_space<hbm>> -> memref<1x80xf32, #tpu.memory_space<hbm>>
      %dma_wait3A_69 = tpu.memref_squeeze %dma_wait3A_68 : memref<1x80xf32, #tpu.memory_space<hbm>> -> memref<80xf32, #tpu.memory_space<hbm>>
      tpu.wait_dma2 semaphore(%arg22 : memref<!tpu.dma_semaphore, #tpu.memory_space<semaphore_mem>>) src(%dma_wait3A_69 : memref<80xf32, #tpu.memory_space<hbm>>) dst(%arg18 : memref<80xf32, #tpu.memory_space<vmem>>)
      %dma_start3A_70 = arith.constant 0 : i32
      %dma_start3A_71 = arith.constant 0 : i32
      %dma_start3A_72 = tpu.memref_slice %arg2[%arg0, %dma_start3A_70, %dma_start3A_71] : memref<2x10000x112xf32, #tpu.memory_space<hbm>> -> memref<1x10000x112xf32, #tpu.memory_space<hbm>>
      %dma_start3A_73 = tpu.memref_squeeze %dma_start3A_72 : memref<1x10000x112xf32, #tpu.memory_space<hbm>> -> memref<10000x112xf32, #tpu.memory_space<hbm>>
      %dma_start3A_74 = arith.constant 0 : i32
      %dma_start3A_75 = arith.constant 0 : i32
      %dma_start3A_76 = tpu.memref_slice %dma_start3A_73[%dma_start3A_74, %dma_start3A_75] : memref<10000x112xf32, #tpu.memory_space<hbm>> -> memref<10000x112xf32, #tpu.memory_space<hbm>>
      tpu.enqueue_indirect_dma source(%dma_start3A_76 : memref<10000x112xf32, #tpu.memory_space<hbm>>) target(%arg19 : memref<80x112xf32, #tpu.memory_space<vmem>>) offsets(%arg15 : memref<80xi32, #tpu.memory_space<vmem>>) semaphore(%arg22 : memref<!tpu.dma_semaphore, #tpu.memory_space<semaphore_mem>>)
      %dma_wait3A_77 = arith.constant 0 : i32
      %dma_wait3A_78 = arith.constant 0 : i32
      %dma_wait3A_79 = tpu.memref_slice %arg2[%arg0, %dma_wait3A_77, %dma_wait3A_78] : memref<2x10000x112xf32, #tpu.memory_space<hbm>> -> memref<1x10000x112xf32, #tpu.memory_space<hbm>>
      %dma_wait3A_80 = tpu.memref_squeeze %dma_wait3A_79 : memref<1x10000x112xf32, #tpu.memory_space<hbm>> -> memref<10000x112xf32, #tpu.memory_space<hbm>>
      %dma_wait3A_81 = arith.constant 0 : i32
      %dma_wait3A_82 = arith.constant 0 : i32
      %dma_wait3A_83 = tpu.memref_slice %dma_wait3A_80[%dma_wait3A_81, %dma_wait3A_82] : memref<10000x112xf32, #tpu.memory_space<hbm>> -> memref<10000x112xf32, #tpu.memory_space<hbm>>
      tpu.wait_indirect_dma semaphore(%arg22 : memref<!tpu.dma_semaphore, #tpu.memory_space<semaphore_mem>>) src(%dma_wait3A_83 : memref<10000x112xf32, #tpu.memory_space<hbm>>) dst(%arg19 : memref<80x112xf32, #tpu.memory_space<vmem>>)
      %parallel_loop3A = arith.constant 0 : i32
      %parallel_loop3A_84 = arith.constant 500 : i32
      %parallel_loop3A_85 = arith.constant 1 : i32
      scf.for %parallel_loop3A_86 = %parallel_loop3A to %parallel_loop3A_84 step %parallel_loop3A_85  : i32 {
        %parallel_loop3A_87 = arith.index_cast %parallel_loop3A_86 : i32 to index
        %parallel_loop3A_88 = arith.constant 0 : index
        %parallel_loop3A_89 = tpu.vector_load %arg14[%parallel_loop3A_87, %parallel_loop3A_88] {strides = array<i32>} : memref<500x16xi32, #tpu.memory_space<vmem>>, vector<16xi32>,
        %parallel_loop3A_90 = arith.constant 16 : i32
        %parallel_loop3A_91 = arith.muli %parallel_loop3A_86, %parallel_loop3A_90 : i32
        %parallel_loop3A_92 = vector.broadcast %parallel_loop3A_91 : i32 to vector<16xi32>
        %parallel_loop3A_93 = arith.addi %parallel_loop3A_92, %iota3A : vector<16xi32>
        %parallel_loop3A_94 = arith.constant 100 : i32
        %parallel_loop3A_95 = vector.broadcast %parallel_loop3A_94 : i32 to vector<16xi32>
        %parallel_loop3A_96 = arith.muli %parallel_loop3A_89, %parallel_loop3A_95 : vector<16xi32>
        %parallel_loop3A_97 = arith.subi %parallel_loop3A_93, %parallel_loop3A_96 : vector<16xi32>
        %parallel_loop3A_98 = tpu.vector_load_idx %arg17[%parallel_loop3A_89] : memref<80xi32, #tpu.memory_space<vmem>>[vector<16xi32>], vector<16xi32>,
        %parallel_loop3A_99 = tpu.vector_load_idx %arg18[%parallel_loop3A_89] : memref<80xf32, #tpu.memory_space<vmem>>[vector<16xi32>], vector<16xf32>,
        %parallel_loop3A_100 = tpu.vector_load_idx %arg19[%parallel_loop3A_89, %parallel_loop3A_97] : memref<80x112xf32, #tpu.memory_space<vmem>>[vector<16xi32>, vector<16xi32>], vector<16xf32>,
        %parallel_loop3A_101 = arith.constant 1 : i32
        %parallel_loop3A_102 = vector.broadcast %parallel_loop3A_101 : i32 to vector<16xi32>
        %parallel_loop3A_103 = arith.xori %parallel_loop3A_97, %parallel_loop3A_102 : vector<16xi32>
        %parallel_loop3A_104 = tpu.vector_load_idx %arg19[%parallel_loop3A_89, %parallel_loop3A_103] : memref<80x112xf32, #tpu.memory_space<vmem>>[vector<16xi32>, vector<16xi32>], vector<16xf32>,
        %parallel_loop3A_105 = tpu.vector_load_idx %arg12[%parallel_loop3A_98, %parallel_loop3A_97] : memref<100x100xf32, #tpu.memory_space<vmem>>[vector<16xi32>, vector<16xi32>], vector<16xf32>,
        %parallel_loop3A_106 = tpu.vector_load_idx %arg13[%parallel_loop3A_98, %parallel_loop3A_97] : memref<100x100xf32, #tpu.memory_space<vmem>>[vector<16xi32>, vector<16xi32>], vector<16xf32>,
        %parallel_loop3A_107 = arith.mulf %parallel_loop3A_100, %parallel_loop3A_105 : vector<16xf32>
        %parallel_loop3A_108 = arith.mulf %parallel_loop3A_104, %parallel_loop3A_106 : vector<16xf32>
        %parallel_loop3A_109 = arith.addf %parallel_loop3A_107, %parallel_loop3A_108 : vector<16xf32>
        %parallel_loop3A_110 = arith.mulf %parallel_loop3A_109, %parallel_loop3A_99 : vector<16xf32>
        tpu.vector_store_idx %arg20[%parallel_loop3A_89, %parallel_loop3A_97], %parallel_loop3A_110 : memref<80x112xf32, #tpu.memory_space<vmem>>[vector<16xi32>, vector<16xi32>], vector<16xf32>,
      } {sc.loop_unroll_factor = 4 : i64, sc.parallel_access}
      "tpu.region"() ({
        %run_scoped3A = tpu.sem_alloc : memref<!tpu.dma_semaphore, #tpu.memory_space<semaphore_mem>>
        %dma_start3A_86 = arith.constant 0 : i32
        %dma_start3A_87 = arith.constant 0 : i32
        %dma_start3A_88 = tpu.memref_slice %arg21[%dma_start3A_86, %dma_start3A_87] : memref<10000x112xf32, #tpu.memory_space<vmem_shared>> -> memref<10000x112xf32, #tpu.memory_space<vmem_shared>>
        tpu.enqueue_indirect_dma source(%arg20 : memref<80x112xf32, #tpu.memory_space<vmem>>) target(%dma_start3A_88 : memref<10000x112xf32, #tpu.memory_space<vmem_shared>>) offsets(%arg16 : memref<80xi32, #tpu.memory_space<vmem>>) semaphore(%run_scoped3A : memref<!tpu.dma_semaphore, #tpu.memory_space<semaphore_mem>>) {add = true}
        %dma_wait3A_89 = arith.constant 0 : i32
        %dma_wait3A_90 = arith.constant 0 : i32
        %dma_wait3A_91 = tpu.memref_slice %arg21[%dma_wait3A_89, %dma_wait3A_90] : memref<10000x112xf32, #tpu.memory_space<vmem_shared>> -> memref<10000x112xf32, #tpu.memory_space<vmem_shared>>
        tpu.wait_indirect_dma semaphore(%run_scoped3A : memref<!tpu.dma_semaphore, #tpu.memory_space<semaphore_mem>>) src(%arg20 : memref<80x112xf32, #tpu.memory_space<vmem>>) dst(%dma_wait3A_91 : memref<10000x112xf32, #tpu.memory_space<vmem_shared>>)
        tpu.yield
      }) : () -> ()
    }
    %scan3A_10 = arith.constant 125 : i32
    %barrier3A_11 = arith.constant 0 : index
    tpu.barrier barrier_id(%barrier3A_11)
    %scan3A_12 = arith.constant 0 : i32
    %scan3A_13 = arith.constant 8 : i32
    %scan3A_14 = arith.addi %scan3A_12, %scan3A_13 : i32
    %scan3A_15 = arith.constant 1 : i32
    scf.for %scan3A_17 = %scan3A_12 to %scan3A_14 step %scan3A_15  : i32 {
      %mul3A_18 = arith.constant 1 : i32
      %mul3A_19 = arith.muli %scan3A_17, %mul3A_18 : i32
      %add3A = arith.constant 0 : i32
      %add3A_20 = arith.addi %add3A, %mul3A_19 : i32
      %mul3A_21 = arith.constant 80 : i32
      %mul3A_22 = arith.muli %add3A_20, %mul3A_21 : i32
      %add3A_23 = arith.addi %min3A_1, %mul3A_22 : i32
      %multiple_of3A = tpu.assume_multiple %add3A_23, 8 : i32
      "tpu.region"() ({
        %run_scoped3A = tpu.sem_alloc : memref<!tpu.dma_semaphore, #tpu.memory_space<semaphore_mem>>
        %dma_start3A = arith.constant 0 : i32
        %dma_start3A_24 = tpu.memref_slice %arg11[%arg0, %multiple_of3A, %dma_start3A] : memref<2x10000x112xf32, #tpu.memory_space<hbm>> -> memref<1x80x112xf32, #tpu.memory_space<hbm>>
        %dma_start3A_25 = tpu.memref_squeeze %dma_start3A_24 : memref<1x80x112xf32, #tpu.memory_space<hbm>> -> memref<80x112xf32, #tpu.memory_space<hbm>>
        %dma_start3A_26 = arith.constant 0 : i32
        %dma_start3A_27 = tpu.memref_slice %arg21[%multiple_of3A, %dma_start3A_26] : memref<10000x112xf32, #tpu.memory_space<vmem_shared>> -> memref<80x112xf32, #tpu.memory_space<vmem_shared>>
        tpu.enqueue_dma source(%dma_start3A_27 : memref<80x112xf32, #tpu.memory_space<vmem_shared>>) target(%dma_start3A_25 : memref<80x112xf32, #tpu.memory_space<hbm>>) target_semaphore(%run_scoped3A : memref<!tpu.dma_semaphore, #tpu.memory_space<semaphore_mem>>)
        %dma_wait3A = arith.constant 0 : i32
        %dma_wait3A_28 = tpu.memref_slice %arg11[%arg0, %multiple_of3A, %dma_wait3A] : memref<2x10000x112xf32, #tpu.memory_space<hbm>> -> memref<1x80x112xf32, #tpu.memory_space<hbm>>
        %dma_wait3A_29 = tpu.memref_squeeze %dma_wait3A_28 : memref<1x80x112xf32, #tpu.memory_space<hbm>> -> memref<80x112xf32, #tpu.memory_space<hbm>>
        %dma_wait3A_30 = arith.constant 0 : i32
        %dma_wait3A_31 = tpu.memref_slice %arg21[%multiple_of3A, %dma_wait3A_30] : memref<10000x112xf32, #tpu.memory_space<vmem_shared>> -> memref<80x112xf32, #tpu.memory_space<vmem_shared>>
        tpu.wait_dma2 semaphore(%run_scoped3A : memref<!tpu.dma_semaphore, #tpu.memory_space<semaphore_mem>>) src(%dma_wait3A_31 : memref<80x112xf32, #tpu.memory_space<vmem_shared>>) dst(%dma_wait3A_29 : memref<80x112xf32, #tpu.memory_space<hbm>>)
        tpu.yield
      }) : () -> ()
    }
    %scan3A_16 = arith.constant 8 : i32
    return
  }
}

module attributes {stable_mosaic.version = 14 : i64} {
  func.func @body(%arg0: i32, %arg1: memref<1000x200xf32, #tpu.memory_space<vmem>>, %arg2: memref<1000x200xf32, #tpu.memory_space<vmem>>, %arg3: memref<200x200xf32, #tpu.memory_space<vmem>>, %arg4: memref<1x200xf32, #tpu.memory_space<vmem>>, %arg5: memref<1000x200xf32, #tpu.memory_space<vmem>>) attributes {dimension_semantics = [#tpu.dimension_semantics<arbitrary>], iteration_bounds = array<i64: 10>, scalar_prefetch = 0 : i64, scratch_operands = 0 : i64, tpu.core_type = #tpu.core_type<tc>, window_params = [{transform_indices = @transform_0, window_bounds = array<i64: 1000, 200>}, {transform_indices = @transform_1, window_bounds = array<i64: 1000, 200>}, {pipeline_mode = #tpu.pipeline_mode<synchronous>, transform_indices = @transform_2, window_bounds = array<i64: 200, 200>}, {pipeline_mode = #tpu.pipeline_mode<synchronous>, transform_indices = @transform_3, window_bounds = array<i64: 1, 200>}, {transform_indices = @transform_4, window_bounds = array<i64: 1000, 200>}]} {
    %get3A = arith.constant 0 : index
    %get3A_0 = arith.constant 0 : index
    %get3A_1 = vector.load %arg1[%get3A, %get3A_0] : memref<1000x200xf32, #tpu.memory_space<vmem>>, vector<1000x200xf32>
    %get3A_2 = arith.constant 0 : index
    %get3A_3 = arith.constant 0 : index
    %get3A_4 = vector.load %arg2[%get3A_2, %get3A_3] : memref<1000x200xf32, #tpu.memory_space<vmem>>, vector<1000x200xf32>
    %get3A_5 = arith.constant 0 : index
    %get3A_6 = arith.constant 0 : index
    %get3A_7 = vector.load %arg3[%get3A_5, %get3A_6] : memref<200x200xf32, #tpu.memory_space<vmem>>, vector<200x200xf32>
    %dot_general3A = arith.constant dense<0.000000e+00> : vector<1000x200xf32>
    %dot_general3A_8 = tpu.matmul %get3A_4, %get3A_7, %dot_general3A {dimension_numbers = #tpu.dot_dimension_numbers<[1], [0], [0], [1], [0, 0, 1, 1], [], []>, transpose_lhs_hint = false} : vector<1000x200xf32>, vector<200x200xf32>, vector<1000x200xf32> -> vector<1000x200xf32>
    %add3A = arith.addf %get3A_1, %dot_general3A_8 : vector<1000x200xf32>
    %get3A_9 = arith.constant 0 : index
    %get3A_10 = arith.constant 0 : index
    %get3A_11 = vector.load %arg4[%get3A_9, %get3A_10] : memref<1x200xf32, #tpu.memory_space<vmem>>, vector<1x200xf32>
    %add3A_12 = vector.broadcast %get3A_11 : vector<1x200xf32> to vector<1000x200xf32>
    %add3A_13 = arith.addf %add3A, %add3A_12 : vector<1000x200xf32>
    %max3A = arith.constant 0.000000e+00 : f32
    %max3A_14 = vector.broadcast %max3A : f32 to vector<1000x200xf32>
    %max3A_15 = arith.maximumf %add3A_13, %max3A_14 : vector<1000x200xf32>
    %swap3A = arith.constant 0 : index
    %swap3A_16 = arith.constant 0 : index
    %swap3A_17 = vector.load %arg5[%swap3A, %swap3A_16] : memref<1000x200xf32, #tpu.memory_space<vmem>>, vector<1000x200xf32>
    tpu.vector_store %arg5[%swap3A, %swap3A_16], %max3A_15 {strides = array<i32>} : memref<1000x200xf32, #tpu.memory_space<vmem>>, vector<1000x200xf32>,
    return
  }
  func.func @transform_0(%arg0: i32) -> (i32, i32) {
    %c0_i32 = arith.constant 0 : i32
    %c0_i32_0 = arith.constant 0 : i32
    return %arg0, %c0_i32 : i32, i32
  }
  func.func @transform_1(%arg0: i32) -> (i32, i32) {
    %c0_i32 = arith.constant 0 : i32
    %c0_i32_0 = arith.constant 0 : i32
    return %arg0, %c0_i32 : i32, i32
  }
  func.func @transform_2(%arg0: i32) -> (i32, i32) {
    %c0_i32 = arith.constant 0 : i32
    %c0_i32_0 = arith.constant 0 : i32
    %c0_i32_1 = arith.constant 0 : i32
    return %c0_i32, %c0_i32_0 : i32, i32
  }
  func.func @transform_3(%arg0: i32) -> (i32, i32) {
    %c0_i32 = arith.constant 0 : i32
    %c0_i32_0 = arith.constant 0 : i32
    %c0_i32_1 = arith.constant 0 : i32
    return %c0_i32, %c0_i32_0 : i32, i32
  }
  func.func @transform_4(%arg0: i32) -> (i32, i32) {
    %c0_i32 = arith.constant 0 : i32
    %c0_i32_0 = arith.constant 0 : i32
    return %arg0, %c0_i32 : i32, i32
  }
}

module attributes {stable_mosaic.version = 14 : i64} {
  func.func @body(%arg0: i32, %arg1: memref<1000x200xf32, #tpu.memory_space<vmem>>, %arg2: memref<1000x200xf32, #tpu.memory_space<vmem>>, %arg3: memref<200x200xf32, #tpu.memory_space<vmem>>, %arg4: memref<1x200xf32, #tpu.memory_space<vmem>>, %arg5: memref<1000x200xf32, #tpu.memory_space<vmem>>) attributes {dimension_semantics = [#tpu.dimension_semantics<arbitrary>], iteration_bounds = array<i64: 10>, scalar_prefetch = 0 : i64, scratch_operands = 0 : i64, tpu.core_type = #tpu.core_type<tc>, window_params = [{transform_indices = @transform_0, window_bounds = array<i64: 1000, 200>}, {transform_indices = @transform_1, window_bounds = array<i64: 1000, 200>}, {pipeline_mode = #tpu.pipeline_mode<synchronous>, transform_indices = @transform_2, window_bounds = array<i64: 200, 200>}, {pipeline_mode = #tpu.pipeline_mode<synchronous>, transform_indices = @transform_3, window_bounds = array<i64: 1, 200>}, {transform_indices = @transform_4, window_bounds = array<i64: 1000, 200>}]} {
    %get3A = arith.constant 0 : index
    %get3A_0 = arith.constant 0 : index
    %get3A_1 = vector.load %arg1[%get3A, %get3A_0] : memref<1000x200xf32, #tpu.memory_space<vmem>>, vector<1000x200xf32>
    %get3A_2 = arith.constant 0 : index
    %get3A_3 = arith.constant 0 : index
    %get3A_4 = vector.load %arg2[%get3A_2, %get3A_3] : memref<1000x200xf32, #tpu.memory_space<vmem>>, vector<1000x200xf32>
    %get3A_5 = arith.constant 0 : index
    %get3A_6 = arith.constant 0 : index
    %get3A_7 = vector.load %arg3[%get3A_5, %get3A_6] : memref<200x200xf32, #tpu.memory_space<vmem>>, vector<200x200xf32>
    %dot_general3A = arith.constant dense<0.000000e+00> : vector<1000x200xf32>
    %dot_general3A_8 = tpu.matmul %get3A_4, %get3A_7, %dot_general3A {dimension_numbers = #tpu.dot_dimension_numbers<[1], [0], [0], [1], [0, 0, 1, 1], [], []>, transpose_lhs_hint = false} : vector<1000x200xf32>, vector<200x200xf32>, vector<1000x200xf32> -> vector<1000x200xf32>
    %add3A = arith.addf %get3A_1, %dot_general3A_8 : vector<1000x200xf32>
    %get3A_9 = arith.constant 0 : index
    %get3A_10 = arith.constant 0 : index
    %get3A_11 = vector.load %arg4[%get3A_9, %get3A_10] : memref<1x200xf32, #tpu.memory_space<vmem>>, vector<1x200xf32>
    %add3A_12 = vector.broadcast %get3A_11 : vector<1x200xf32> to vector<1000x200xf32>
    %add3A_13 = arith.addf %add3A, %add3A_12 : vector<1000x200xf32>
    %swap3A = arith.constant 0 : index
    %swap3A_14 = arith.constant 0 : index
    %swap3A_15 = vector.load %arg5[%swap3A, %swap3A_14] : memref<1000x200xf32, #tpu.memory_space<vmem>>, vector<1000x200xf32>
    tpu.vector_store %arg5[%swap3A, %swap3A_14], %add3A_13 {strides = array<i32>} : memref<1000x200xf32, #tpu.memory_space<vmem>>, vector<1000x200xf32>,
    return
  }
  func.func @transform_0(%arg0: i32) -> (i32, i32) {
    %c0_i32 = arith.constant 0 : i32
    %c0_i32_0 = arith.constant 0 : i32
    return %arg0, %c0_i32 : i32, i32
  }
  func.func @transform_1(%arg0: i32) -> (i32, i32) {
    %c0_i32 = arith.constant 0 : i32
    %c0_i32_0 = arith.constant 0 : i32
    return %arg0, %c0_i32 : i32, i32
  }
  func.func @transform_2(%arg0: i32) -> (i32, i32) {
    %c0_i32 = arith.constant 0 : i32
    %c0_i32_0 = arith.constant 0 : i32
    %c0_i32_1 = arith.constant 0 : i32
    return %c0_i32, %c0_i32_0 : i32, i32
  }
  func.func @transform_3(%arg0: i32) -> (i32, i32) {
    %c0_i32 = arith.constant 0 : i32
    %c0_i32_0 = arith.constant 0 : i32
    %c0_i32_1 = arith.constant 0 : i32
    return %c0_i32, %c0_i32_0 : i32, i32
  }
  func.func @transform_4(%arg0: i32) -> (i32, i32) {
    %c0_i32 = arith.constant 0 : i32
    %c0_i32_0 = arith.constant 0 : i32
    return %arg0, %c0_i32 : i32, i32
  }
}

</mosaic_0001>

<sc_bundles>
// kernel: gather_offload_async_start
scs
__scs_entry_jumppad:
0x0: {  	(pc) =	sbr.rel $0x88, $3  }
0x1: {  	(tag) =	ssettag $0x0;
	lr =	simm.s32 $0x1  }
0x2: {  	[smem:$0x3F96] =	sst lr;
	_ =	strace $0xD0000000  }
0x3: {  	_ = 	snop  }
0x4: {  	_ = 	snop  }
0x5: {  	_ = 	snop  }
0x6: {  	_ = 	snop  }
0x7: {  	_ = 	snop  }
__scs_overlays_trampoline_lowered:
0x8: {  	[smem:$0x3FA5] =	sst s0  }
0x9: {  	[smem:$0x3FA6] =	sst s1  }
0xa: {  	[smem:$0x3FA7] =	sst s2  }
0xb: {  	[smem:$0x3FA8] =	sst s3  }
0xc: {  	[smem:$0x3FA9] =	sst s4  }
0xd: {  	[smem:$0x3FAA] =	sst s5  }
0xe: {  	[smem:$0x3FAB] =	sst s6  }
0xf: {  	[smem:$0x3FAC] =	sst s7  }
0x10: {  	[smem:$0x3FAD] =	sst s8  }
0x11: {  	[smem:$0x3FAE] =	sst s9;
	s0 =	simm.s32 @!p0 $0x0  }
0x12: {  	s1 =	sld [smem:$0x3F94];
	s0 =	simm.s32 @p0 $0x1  }
0x13: {  	[smem:$0x3FAF] =	sst s0;
	s0 =	simm.s32 @!p1 $0x0  }
0x14: {  	s2 =	sld [smem:$0x3F93];
	s0 =	simm.s32 @p1 $0x1  }
0x15: {  	[smem:$0x3FB0] =	sst s0;
	s0 =	simm.s32 @!p2 $0x0  }
0x16: {  	s3 =	sld [smem:$0x3FDB];
	s0 =	simm.s32 @p2 $0x1  }
0x17: {  	s4 =	simm.s32 $0x1BF5;
	[smem:$0x3FB2] =	sst s0  }
0x18: {  	s0 =	sld [smem:$0x3F95];
	_ =	swait.ge [sflag:s4], $0x0  }
0x19: {  	s7 =	sld [smem:$0x3F96]  }
0x1a: {  	s8 =	sadd.s32 $0xFFFFE003, lr  }
0x1b: {  	s9 =	sadd.s32 $0xFFFFFEF7, lr;
	s5 =	simm.s32 $0xFFFFFFFF;
	p2 =	slt.u32 s8, $0xFFFFF086  }
0x1c: {  	p1 =	slt.u32 s9, $0xF7A;
	s5 =	simm.s32 @!p2 $0x0  }
0x1d: {  	s5 =	simm.s32 @p1 $0x1;
	p0 =	seq.s32 s7, s2  }
0x1e: {  	s7 =	smul.u32 @!p0 $0xF7A, s2;
	p2 =	seq.s32 @!p0 s5, $0x0  }
0x1f: {  	s9 =	smul.u32 $0xF7A, s1;
	s8 =	simm.s32 @!p0 $0x1BF5;
	p2 =	por !p2, p0  }
0x20: {  	[sflag:s8] =	ssyncset.s32 @!p0 $0xFFFFF086;
	s6 =	sadd.s32 @!p0 s3, s7;
	s7 =	simm.s32 @!p0 $0x108  }
0x21: {  	s3 =	sadd.s32 s3, s9;
	s6 =	sadd.s32 @!p0 $0x88, s6;
	s7 =	simm.s32 @p2 $0x1082  }
0x22: {  	[simem:s7], [sflag:s8] =	dma.local @!p0 [hbm:s6], $0xF7A  }
0x23: {  	s9 =	sor.u32 $0xD0000000, s2;
	s6 =	simm.s32 $0x108;
	_ =	swait.ge @!p0 [sflag:s8], $0x0  }
0x24: {  	s3 =	sadd.s32 $0x88, s3;
	s6 =	simm.s32 @!p1 $0x1082;
	[sflag:s4] =	ssyncset.s32 $0xFFFFF086  }
0x25: {  	[simem:s6], [sflag:s4] =	dma.local [hbm:s3], $0xF7A  }
0x26: {  	[smem:$0x3F96] =	sst s1;
	(tag) =	ssettag s2;
	_ =	strace s9  }
0x27: {  	s1 =	sld [smem:$0x3FA6]  }
0x28: {  	s2 =	sld [smem:$0x3FA7]  }
0x29: {  	s4 =	sld [smem:$0x3FA9]  }
0x2a: {  	p0 =	seq.s32 s5, $0x0;
	s5 =	sld [smem:$0x3FAA]  }
0x2b: {  	s6 =	sld [smem:$0x3FAB]  }
0x2c: {  	s7 =	sld [smem:$0x3FAC]  }
0x2d: {  	s3 =	simm.s32 $0x108;
	s8 =	sld [smem:$0x3FAD]  }
0x2e: {  	s3 =	simm.s32 @!p0 $0x1082;
	s9 =	sld [smem:$0x3FAE]  }
0x2f: {  	lr =	sadd.s32 s0, s3;
	s0 =	sld [smem:$0x3FA5]  }
0x30: {  	s3 =	sld [smem:$0x3FA8]  }
0x31: {  	[smem:$0x3FB1] =	sst s10  }
0x32: {  	s10 =	sld [smem:$0x3FAF];
	_ =	sdelay $0x3  }
0x33: {  	p0 =	seq.s32 s10, $0x1;
	s10 =	sld [smem:$0x3FB1];
	_ =	sdelay $0x3  }
0x34: {  	[smem:$0x3FB1] =	sst s10  }
0x35: {  	s10 =	sld [smem:$0x3FB0];
	_ =	sdelay $0x3  }
0x36: {  	p1 =	seq.s32 s10, $0x1;
	s10 =	sld [smem:$0x3FB1];
	_ =	sdelay $0x3  }
0x37: {  	[smem:$0x3FB1] =	sst s10  }
0x38: {  	s10 =	sld [smem:$0x3FB2]  }
0x39: {  	_ = 	snop;
	(pc) =	sbr.ind lr, $3  }
0x3a: {  	_ = 	snop  }
0x3b: {  	_ = 	snop  }
0x3c: {  	p2 =	seq.s32 s10, $0x1;
	s10 =	sld [smem:$0x3FB1]  }
0x3d: {  	_ =	shalt  }
0x3e: {  	_ =	shalt  }
0x3f: {  	_ =	shalt  }
0x40: {  	_ =	shalt  }
0x41: {  	_ =	shalt  }
0x42: {  	_ =	shalt  }
0x43: {  	_ =	shalt  }
0x44: {  	_ =	shalt  }
0x45: {  	_ =	shalt  }
0x46: {  	_ =	shalt  }
0x47: {  	_ =	shalt  }
0x48: {  	_ =	shalt  }
0x49: {  	_ =	shalt  }
0x4a: {  	_ =	shalt  }
0x4b: {  	_ =	shalt  }
0x4c: {  	_ =	shalt  }
0x4d: {  	_ =	shalt  }
0x4e: {  	_ =	shalt  }
0x4f: {  	_ =	shalt  }
0x50: {  	_ =	shalt  }
0x51: {  	_ =	shalt  }
0x52: {  	_ =	shalt  }
0x53: {  	_ =	shalt  }
0x54: {  	_ =	shalt  }
0x55: {  	_ =	shalt  }
0x56: {  	_ =	shalt  }
0x57: {  	_ =	shalt  }
0x58: {  	_ =	shalt  }
0x59: {  	_ =	shalt  }
0x5a: {  	_ =	shalt  }
0x5b: {  	_ =	shalt  }
0x5c: {  	_ =	shalt  }
0x5d: {  	_ =	shalt  }
0x5e: {  	_ =	shalt  }
0x5f: {  	_ =	shalt  }
0x60: {  	_ =	shalt  }
0x61: {  	_ =	shalt  }
0x62: {  	_ =	shalt  }
0x63: {  	_ =	shalt  }
0x64: {  	_ =	shalt  }
0x65: {  	_ =	shalt  }
0x66: {  	_ =	shalt  }
0x67: {  	_ =	shalt  }
0x68: {  	_ =	shalt  }
0x69: {  	_ =	shalt  }
0x6a: {  	_ =	shalt  }
0x6b: {  	_ =	shalt  }
0x6c: {  	_ =	shalt  }
0x6d: {  	_ =	shalt  }
0x6e: {  	_ =	shalt  }
0x6f: {  	_ =	shalt  }
0x70: {  	_ =	shalt  }
0x71: {  	_ =	shalt  }
0x72: {  	_ =	shalt  }
0x73: {  	_ =	shalt  }
0x74: {  	_ =	shalt  }
0x75: {  	_ =	shalt  }
0x76: {  	_ =	shalt  }
0x77: {  	_ =	shalt  }
0x78: {  	_ =	shalt  }
0x79: {  	_ =	shalt  }
0x7a: {  	_ =	shalt  }
0x7b: {  	_ =	shalt  }
0x7c: {  	_ =	shalt  }
0x7d: {  	_ =	shalt  }
0x7e: {  	_ =	shalt  }
0x7f: {  	_ =	shalt  }
0x80: {  	_ =	shalt  }
0x81: {  	_ =	shalt  }
0x82: {  	_ =	shalt  }
0x83: {  	_ =	shalt  }
0x84: {  	_ =	shalt  }
0x85: {  	_ =	shalt  }
0x86: {  	_ =	shalt  }
0x87: {  	_ =	shalt  }
.Lfunc_end0:
.L_simem_size_0:
called_computation_lowered:
.L_overlay_start_0:
0x88: {  	s0 =	sld [smem:$0x3FD9]  }
0x89: {  	s1 =	sld [smem:$0x3FFE];
	_ =	sdelay $0x3  }
0x8a: {  	s0 =	sadd.s32 s1, s0  }
0x8b: {  	[smem:$0x3FBD] =	sst s0  }
0x8c: {  	_ = 	snop  }
0x8d: {  	(tm) =	ssettm $0x1  }
0x8e: {  	s15 =	sld [smem:$0x3FFB];
	_ =	sdelay $0x3  }
0x8f: {  	_ =	strace s15  }
0x90: {  	s0 =	sld [smem:$0x3FFC];
	_ =	sdelay $0x3  }
0x91: {  	_ =	strace s0  }
0x92: {  	s0 =	sld [smem:$0x3FFD];
	_ =	sdelay $0x3  }
0x93: {  	_ =	strace s0  }
0x94: {  	_ =	strace $0x8FFFFFFF  }
0x95: {  	s16 =	sld [smem:$0x3FDB];
	_ =	sdelay $0x1  }
0x96: {  	s17 =	simm.s32 $_scs_section_size  }
0x97: {  	s2 =	simm.s32 $_size__tile_overlayer_lowered;
	s3 =	simm.s32 $_tile_overlayer_lowered  }
0x98: {  	s20 =	simm.s32 $0x1BFF;
	s19 =	sshll.u32 s3, $0x1;
	s0 =	sadd.s32 s17, s16  }
0x99: {  	s4 =	simm.s32 $0x0;
	s18 =	sshll.u32 s2, $0x1;
	s2 =	sadd.s32 s19, s0  }
0x9a: {  	[timem:s4], [sflag:s20] =	dma.local [hbm:s2], s18  }
0x9b: {  	_ =	swait.ge [sflag:s20], s18  }
0x9c: {  	s1 =	ssub.s32 $0x0, s18;
	[sflag:s20] =	ssyncset.done $0x0  }
0x9d: {  	[sflag:s20] =	ssyncadd.s32 s1;
	_ =	sdelay $0x1  }
0x9e: {  	s21 =	simm.s32 $0x1B8B  }
0x9f: {  	_ =	swait.ge [sflag:s21], $0x1  }
0xa0: {  	[sflag:s21] =	ssyncset.done $0x0  }
0xa1: {  	s23 =	simm.s32 $0x1B8E;
	s22 =	sld [smem:$0x3FFE];
	[sflag:s21] =	ssyncadd.s32 $0xFFFFFFFF  }
0xa2: {  	s24 =	simm.s32 $execute0_lowered;
	[smem:$0x3FD2] =	sst s23  }
0xa3: {  	s2 =	sshll.u32 s24, $0x1;
	_ =	strace $0x80000046;
	[dreg:$0x1] =	wrdreg $0xFFFFFFFF  }
0xa4: {  	s25 =	simm.s32 $_size_execute0_lowered;
	s0 =	sadd.s32 s0, s2;
	[dreg:$0x0] =	wrdreg $0x0  }
0xa5: {  	s2 =	sshll.u32 s25, $0x1;
	[dreg:$0x2] =	wrdreg s0  }
0xa6: {  	[dreg:$0x3] =	wrdreg s2  }
0xa7: {  	[dreg:$0x4] =	wrdreg $0xC0  }
0xa8: {  	_ =	task [dreg:s4], $0x5FFFF  }
0xa9: {  	[dreg:$0x1] =	wrdreg $0xFFFFFFFF  }
0xaa: {  	[dreg:$0x0] =	wrdreg $0x60  }
0xab: {  	[dreg:$0x2] =	wrdreg s22  }
0xac: {  	[dreg:$0x3] =	wrdreg $0x9  }
0xad: {  	_ =	task.clear_ibuf [dreg:s4], $0x4FFFF;
	_ =	strace $0x90000046  }
0xae: {  	s26 =	simm.s32 $0x9;
	_ =	strace $0x80000048  }
0xaf: {  	_ =	swait.ge [sflag:s26], $0x1  }
0xb0: {  	[sflag:s26] =	ssyncadd.s32 $0xFFFFFFFF  }
0xb1: {  	_ =	strace $0x90000048  }
0xb2: {  	_ =	sfence  }
0xb3: {  	s28 =	sld [smem:$0x0];
	_ =	sdelay $0x1  }
0xb4: {  	s29 =	srdreg.scid  }
0xb5: {  	s30 =	sshll.u32 s29, $0xD;
	s31 =	sshrl.u32 s29, $0x2  }
0xb6: {  	s1 =	sand.u32 $0x1, s29;
	s2 =	sand.u32 $0x4000, s30;
	s0 =	sadd.s32 s31, s28  }
0xb7: {  	s1 =	sor.u32 s2, s1;
	s0 =	sshll.u32 s0, $0x11  }
0xb8: {  	s0 =	sor.u32 s0, s1  }
0xb9: {  	s0 =	sadd.s32 $0x8F2B, s0  }
0xba: {  	[sflag:s0] =	ssyncadd.remote.s32 $0x1  }
0xbb: {  	_ =	sfence.sel $0xFFFF  }
0xbc: {  	[dreg:$0x0] =	wrdreg $0xFFFFFFFF;
	(pc) =	sbr.abs _section_cstart, $3  }
0xbd: {  	[dreg:$0x1] =	wrdreg $0xFFFFFFFF  }
0xbe: {  	_ =	task.clear_ibuf [dreg:s4], $0x2FFFF;
	_ =	strace $0x9FFFFFFF  }
0xbf: {  	(tm) =	ssettm $0x7FFFFFFF  }
tec
execute0_lowered:
.L_overlay_start_1:
0x0: {  	(tag) =	ssettag $0x1  }
0x1: {  	s0 =	stileid.u32  }
0x2: {  	s1 =	smul.u32 $0x3, s0  }
0x3: {  	s2 =	smin.u32 s0, $0x2  }
0x4: {  	s1 =	sadd.s32 s2, s1  }
0x5: {  	p0 =	slt.u32 s0, $0x2;
	s2 =	simm.s32 $0x320;
	s1 =	smul.u32 $0xC8, s1  }
0x6: {  	s2 =	simm.s32 @!p0 $0x258  }
0x7: {  	s2 =	sadd.s32 s2, s1  }
0x8: {  	s3 =	smin.u32 s2, $0x2710  }
0x9: {  	s7 =	ssub.s32 s3, s1  }
0xa: {  	p0 =	sgt.s32 s7, $0x0  }
0xb: {  	s7 =	simm.s32 @!p0 $0x0  }
0xc: {  	s31 =	sand.u32 $0xFFF8, s7  }
0xd: {  	s2 =	sshrl.u32 s31, $0x3  }
0xe: {  	s2 =	smul.u32 $0x147B, s2  }
0xf: {  	s9 =	rddreg [dreg:$0x0];
	s6 =	simm.s32 $0x1;
	s11 =	simm.s32 $0x3  }
0x10: {  	s13 =	simm.s32 $0x0;
	s12 =	simm.s32 $0x0;
	s8 =	sshrl.u32 s2, $0x11  }
0x11: {  	s4 =	sadd.s32 $0x2C00, s9;
	s5 =	sadd.s32 $0x50E00, s9;
	s10 =	smul.u32 $0xC8, s8  }
.Ltmp0:
0x12: {  	s9 =	sadd.s32 $0x51400, s9;
	s2 =	rddreg [dreg:$0x1];
	(pc) =	sbr.rel .LBB2_1-.Ltmp0, $4  }
0x13: {  	_ =	strace $0x80000047;
	p0 =	sne.s32 s7, s10;
	s10 =	simm.s32 $0x1  }
0x14: {  	[sflag:s6] =	ssyncpa.u1 $0x0;
	s7 =	simm.s32 $0x2;
	s10 =	simm.s32 @!p0 $0x0  }
0x15: {  	[sflag:s7] =	ssyncpa.u1 $0x0;
	p0 =	por $0x0, $0x0;
	s8 =	sadd.s32 s8, s10  }
0x16: {  	vm0 =	vmmov $0xff;
	vm1 =	vcmask $0x3F20;
	[sflag:s11] =	ssyncpa.u1 $0x0;
	s11 =	smov.u32 s1;
	s10 =	sadd.s32 $0x1, s8  }
.LBB2_10:
0x17: {  	[hbm:s17] =	stream.linear.scatter [tilespmem:s14], [sflag:$0x3], $0x800, $0x38;
	[tilespmem:$0x19190] =	vst v63  }
.LBB2_11:
0x18: {  	s13 =	sadd.s32 $0xC8, s11  }
0x19: {  	s15 =	smov.u32 s1;
	p2 =	slt.s32 s13, s3  }
0x1a: {  	s15 =	smov.u32 @p2 s13;
	p2 =	sne.s32 s12, s10  }
.Ltmp1:
0x1b: {  	p1 =	slt.u32 s12, $0x2;
	(pc) =	sbr.rel @!p2 .LBB2_12-.Ltmp1, $4  }
0x1c: {  	s14 =	simm.s32 @!p1 $0x3  }
0x1d: {  	s16 =	sadd.s32 $0x1, s12;
	_ =	swait.ge @!p1 [sflag:s14], $0xC800  }
0x1e: {  	p0 =	por !p0, !p0;
	s13 =	smov.u32 s11;
	[sflag:s14] =	ssyncset.done @!p1 $0x0  }
0x1f: {  	s12 =	smov.u32 s16;
	s11 =	smov.u32 s15;
	[sflag:s14] =	ssyncadd.s32 @!p1 $0xFFFF3800  }
.LBB2_1:
0x20: {  	p1 =	sge.u32 s12, s8  }
0x21: {  	s14 =	sxor.u32 @!p1 $0xFFFFFFFF, s12  }
0x22: {  	s14 =	sand.u32 @!p1 $0x1, s14  }
0x23: {  	s14 =	smul.u32 @!p1 $0x320, s14  }
0x24: {  	s31 =	sadd.s32 $0xFFFFFFFF, s12;
	s15 =	sshrl.u32 @!p1 s11, $0x3  }
0x25: {  	s16 =	sand.u32 @!p1 $0x7, s11;
	s15 =	sadd.s32 @!p1 s5, s15;
	s14 =	sshrl.u32 @!p1 s14, $0x2  }
0x26: {  	[tilespmem:s14], [sflag:$0x2] =	stream.linear.gather @!p1 [hbm4b:s15+s16], $0xC8, $0x38;
	[tilespmem:$0x19190] =	vst v63  }
0x27: {  	p1 =	sge.u32 s31, s8  }
.Ltmp2:
0x28: {  	_ = 	snop;
	(pc) =	sbr.rel @p1 .LBB2_11-.Ltmp2, $1  }
0x29: {  	_ =	sdelay $0x3  }
0x2a: {  	s15 =	sand.u32 $0x1, s12  }
0x2b: {  	s14 =	simm.s32 $0x1;
	s16 =	smul.u32 $0x32000, s15  }
0x2c: {  	_ =	swait.ge [sflag:s7], $0xC8;
	s14 =	simm.s32 @!p0 $0x0;
	s15 =	smul.u32 $0x320, s15  }
0x2d: {  	[sflag:s7] =	ssyncset.done $0x0;
	s14 =	smul.u32 $0x32000, s14  }
0x2e: {  	[sflag:s7] =	ssyncadd.s32 $0xFFFFFF38  }
0x2f: {  	s17 =	sshrl.u32 s16, $0x2;
	s16 =	sshrl.u32 s15, $0x2;
	s14 =	sshrl.u32 s14, $0x2  }
0x30: {  	s15 =	sor.u32 $0x190, s17;
	s17 =	simm.s32 $0x0;
	s14 =	sor.u32 $0x190, s14  }
.LBB2_3:
0x31: {  	s18 =	sshll.u32 s17, $0x4  }
0x32: {  	s18 =	sand.u32 $0x3FFFFFF0, s18  }
0x33: {  	s18 =	sadd.s32 s18, s16  }
0x34: {  	v0 =	vld.msk [tilespmem:s18+$0x0 ss:$0x1], $0xffff;
	_ =	sdelay $0x4  }
0x35: {  	vm2 =	vgt.s32 v0, $0x0  }
0x36: {  	v0 =	vnsel vm2, $0x0, v0  }
0x37: {  	v0 =	vmin.u32 v0, $0x270F  }
0x38: {  	s31 =	sshll.u32 s17, $0xC;
	v1 =	vshll.u32 v0, $0x5;
	v0 =	vshll.u32 v0, $0x4  }
0x39: {  	s18 =	sand.u32 $0x3FFFF000, s31;
	v1 =	vand.u32 $0x7FF00, v1;
	v0 =	vand.u32 $0x70, v0  }
0x3a: {  	p1 =	por $0x1, $0x1;
	s19 =	simm.s32 $0x0;
	s18 =	sadd.s32 s18, s15;
	v0 =	vor.u32 v0, v1  }
.LBB2_4:
0x3b: {  	_ =	sdelay $0x1  }
0x3c: {  	s19 =	sshra.s32 s19, $0x2;
	p2 =	por p1, p1  }
.Ltmp3:
0x3d: {  	s19 =	sadd.s32 s19, s18;
	(pc) =	sbr.rel @p2 .LBB2_4-.Ltmp3, $4  }
0x3e: {  	[tilespmem:s19], [sflag:$0x1] =	stream.indirect_vreg.gather [hbm:s4], $0x80, v0, vm0, $0x38;
	[tilespmem:$0x19190] =	vst v63  }
0x3f: {  	s19 =	sadd.s32 $0x800, s19  }
0x40: {  	[tilespmem:s19], [sflag:$0x1] =	stream.indirect_vreg.gather [hbm:s4], $0x80, v0, vm1, $0x38;
	[tilespmem:$0x19190] =	vst v63  }
0x41: {  	p1 =	por $0x0, $0x0;
	v0 =	vadd.s32 $0x80, v0;
	s19 =	simm.s32 $0x1000  }
0x42: {  	s17 =	sadd.s32 $0x1, s17  }
0x43: {  	p1 =	sne.s32 s17, $0xC  }
.Ltmp4:
0x44: {  	_ = 	snop;
	(pc) =	sbr.rel @p1 .LBB2_3-.Ltmp4, $1  }
0x45: {  	_ =	sdelay $0x3  }
0x46: {  	v0 =	vld.msk [tilespmem:s16+$0xC0 ss:$0x1], $0xff;
	_ =	sdelay $0x4  }
0x47: {  	vm2 =	vgt.s32 v0, $0x0  }
0x48: {  	v0 =	vnsel vm2, $0x0, v0  }
0x49: {  	v0 =	vmin.u32 v0, $0x270F  }
0x4a: {  	v1 =	vshll.u32 v0, $0x5;
	v0 =	vshll.u32 v0, $0x4  }
0x4b: {  	v1 =	vand.u32 $0x7FF00, v1;
	v0 =	vand.u32 $0x70, v0  }
0x4c: {  	s16 =	simm.s32 $0x0;
	p1 =	por $0x1, $0x1;
	v0 =	vor.u32 v0, v1  }
.LBB2_7:
0x4d: {  	p2 =	por p1, p1  }
.Ltmp5:
0x4e: {  	s16 =	sshra.s32 s16, $0x2;
	(pc) =	sbr.rel @p2 .LBB2_7-.Ltmp5, $4  }
0x4f: {  	s16 =	sadd.s32 s16, s15  }
0x50: {  	s16 =	sadd.s32 $0xC000, s16  }
0x51: {  	[tilespmem:s16], [sflag:$0x1] =	stream.indirect_vreg.gather [hbm:s4], $0x80, v0, vm0, $0x38;
	[tilespmem:$0x19190] =	vst v63  }
0x52: {  	p1 =	por $0x0, $0x0;
	v0 =	vadd.s32 $0x80, v0;
	s16 =	simm.s32 $0x1000  }
0x53: {  	s15 =	sshll.u32 s13, $0x5  }
0x54: {  	s31 =	sshll.u32 s13, $0x4;
	s15 =	sand.u32 $0xFFFFFF00, s15  }
0x55: {  	_ =	swait.ge [sflag:s6], $0xC800;
	s13 =	sand.u32 $0x70, s31;
	s15 =	sadd.s32 s15, s9  }
0x56: {  	s16 =	sadd.s32 $0x800, s14;
	[sflag:s6] =	ssyncset.done $0x0;
	s13 =	sadd.s32 s13, s15  }
0x57: {  	[sflag:s6] =	ssyncadd.s32 $0xFFFF3800;
	s15 =	simm.s32 $0x100;
	s17 =	sadd.s32 $0x0, s13  }
.LBB2_9:
0x58: {  	[hbm:s17] =	stream.linear.scatter [tilespmem:s14], [sflag:$0x3], $0x800, $0x38;
	[tilespmem:$0x19190] =	vst v63  }
0x59: {  	s17 =	smov.u32 s15;
	s14 =	smov.u32 s16;
	p1 =	sne.s32 s15, $0x1800  }
.Ltmp6:
0x5a: {  	s15 =	sadd.s32 $0x100, s15;
	(pc) =	sbr.rel @p1 .LBB2_9-.Ltmp6, $2  }
0x5b: {  	_ =	sdelay $0x2  }
0x5c: {  	s16 =	sadd.s32 $0x800, s16;
	s17 =	sadd.s32 s17, s13  }
.Ltmp7:
0x5d: {  	_ = 	snop;
	(pc) =	sbr.rel .LBB2_10-.Ltmp7, $1  }
0x5e: {  	_ =	sdelay $0x3  }
.LBB2_12:
0x5f: {  	_ =	sfence.sel $0x180000  }
0x60: {  	s1 =	simm.s32 $0x2;
	[bflag:$0x0] =	sbarrier.arrive $0xFFFF  }
0x61: {  	s30 =	simm.s32 $0x3;
	[sflag:s1] =	ssyncpa.u1 $0x1  }
0x62: {  	s31 =	simm.s32 $0x1;
	[sflag:s30] =	ssyncpa.u1 $0x1  }
0x63: {  	[sflag:s31] =	ssyncpa.u1 $0x1  }
0x64: {  	p0 =	sne.s32 s0, $0x0;
	_ =	strace $0x90000047  }
0x65: {  	s0 =	sadd.s32 @!p0 $0x100000, s2;
	[bflag:$0x2] =	sbarrier.arrive $0xFFFF  }
0x66: {  	[sflag:s0] =	ssyncadd.tile.s32 @!p0 $0x1;
	_ =	shalt  }
.Lfunc_end2:
_tile_overlayer_lowered:
.L_overlay_start_2:
0x67: {  	(tag) =	ssettag $0x2  }
0x68: {  	s0 =	rddreg [dreg:$0x0];
	s2 =	stileid.u32  }
0x69: {  	s1 =	rddreg [dreg:$0x1];
	p0 =	sne.s32 s2, $0x0  }
0x6a: {  	s3 =	rddreg [dreg:$0x2];
	[bflag:$0x3] =	sbarrier.arrive $0xFFFF;
	s2 =	simm.s32 @!p0 $0x1C01  }
0x6b: {  	[timem:s3], [sflag:s2] =	dma.local @!p0 [hbm:s0], s1  }
0x6c: {  	s0 =	simm.s32 @!p0 $0x1  }
0x6d: {  	_ =	swait.ge @!p0 [sflag:s0], s1  }
0x6e: {  	s1 =	ssub.s32 @!p0 $0x0, s1;
	[sflag:s0] =	ssyncset.done @!p0 $0x0  }
0x6f: {  	[sflag:s0] =	ssyncadd.s32 @!p0 s1  }
0x70: {  	[bflag:$0x3] =	sbarrier.arrive $0xFFFF  }
0x71: {  	_ =	shalt  }

// kernel: kernel.6.cloned.1.call-start
scs
__scs_entry_jumppad:
0x0: {  	(pc) =	sbr.rel $0x88, $3  }
0x1: {  	(tag) =	ssettag $0x0;
	lr =	simm.s32 $0x1  }
0x2: {  	[smem:$0x3F96] =	sst lr;
	_ =	strace $0xD0000000  }
0x3: {  	_ = 	snop  }
0x4: {  	_ = 	snop  }
0x5: {  	_ = 	snop  }
0x6: {  	_ = 	snop  }
0x7: {  	_ = 	snop  }
__scs_overlays_trampoline_lowered:
0x8: {  	[smem:$0x3FA5] =	sst s0  }
0x9: {  	[smem:$0x3FA6] =	sst s1  }
0xa: {  	[smem:$0x3FA7] =	sst s2  }
0xb: {  	[smem:$0x3FA8] =	sst s3  }
0xc: {  	[smem:$0x3FA9] =	sst s4  }
0xd: {  	[smem:$0x3FAA] =	sst s5  }
0xe: {  	[smem:$0x3FAB] =	sst s6  }
0xf: {  	[smem:$0x3FAC] =	sst s7  }
0x10: {  	[smem:$0x3FAD] =	sst s8  }
0x11: {  	[smem:$0x3FAE] =	sst s9;
	s0 =	simm.s32 @!p0 $0x0  }
0x12: {  	s1 =	sld [smem:$0x3F94];
	s0 =	simm.s32 @p0 $0x1  }
0x13: {  	[smem:$0x3FAF] =	sst s0;
	s0 =	simm.s32 @!p1 $0x0  }
0x14: {  	s2 =	sld [smem:$0x3F93];
	s0 =	simm.s32 @p1 $0x1  }
0x15: {  	[smem:$0x3FB0] =	sst s0;
	s0 =	simm.s32 @!p2 $0x0  }
0x16: {  	s3 =	sld [smem:$0x3FDB];
	s0 =	simm.s32 @p2 $0x1  }
0x17: {  	s4 =	simm.s32 $0x1BF5;
	[smem:$0x3FB2] =	sst s0  }
0x18: {  	s0 =	sld [smem:$0x3F95];
	_ =	swait.ge [sflag:s4], $0x0  }
0x19: {  	s7 =	sld [smem:$0x3F96]  }
0x1a: {  	s8 =	sadd.s32 $0xFFFFE003, lr  }
0x1b: {  	s9 =	sadd.s32 $0xFFFFFEF7, lr;
	s5 =	simm.s32 $0xFFFFFFFF;
	p2 =	slt.u32 s8, $0xFFFFF086  }
0x1c: {  	p1 =	slt.u32 s9, $0xF7A;
	s5 =	simm.s32 @!p2 $0x0  }
0x1d: {  	s5 =	simm.s32 @p1 $0x1;
	p0 =	seq.s32 s7, s2  }
0x1e: {  	s7 =	smul.u32 @!p0 $0xF7A, s2;
	p2 =	seq.s32 @!p0 s5, $0x0  }
0x1f: {  	s9 =	smul.u32 $0xF7A, s1;
	s8 =	simm.s32 @!p0 $0x1BF5;
	p2 =	por !p2, p0  }
0x20: {  	[sflag:s8] =	ssyncset.s32 @!p0 $0xFFFFF086;
	s6 =	sadd.s32 @!p0 s3, s7;
	s7 =	simm.s32 @!p0 $0x108  }
0x21: {  	s3 =	sadd.s32 s3, s9;
	s6 =	sadd.s32 @!p0 $0x88, s6;
	s7 =	simm.s32 @p2 $0x1082  }
0x22: {  	[simem:s7], [sflag:s8] =	dma.local @!p0 [hbm:s6], $0xF7A  }
0x23: {  	s9 =	sor.u32 $0xD0000000, s2;
	s6 =	simm.s32 $0x108;
	_ =	swait.ge @!p0 [sflag:s8], $0x0  }
0x24: {  	s3 =	sadd.s32 $0x88, s3;
	s6 =	simm.s32 @!p1 $0x1082;
	[sflag:s4] =	ssyncset.s32 $0xFFFFF086  }
0x25: {  	[simem:s6], [sflag:s4] =	dma.local [hbm:s3], $0xF7A  }
0x26: {  	[smem:$0x3F96] =	sst s1;
	(tag) =	ssettag s2;
	_ =	strace s9  }
0x27: {  	s1 =	sld [smem:$0x3FA6]  }
0x28: {  	s2 =	sld [smem:$0x3FA7]  }
0x29: {  	s4 =	sld [smem:$0x3FA9]  }
0x2a: {  	p0 =	seq.s32 s5, $0x0;
	s5 =	sld [smem:$0x3FAA]  }
0x2b: {  	s6 =	sld [smem:$0x3FAB]  }
0x2c: {  	s7 =	sld [smem:$0x3FAC]  }
0x2d: {  	s3 =	simm.s32 $0x108;
	s8 =	sld [smem:$0x3FAD]  }
0x2e: {  	s3 =	simm.s32 @!p0 $0x1082;
	s9 =	sld [smem:$0x3FAE]  }
0x2f: {  	lr =	sadd.s32 s0, s3;
	s0 =	sld [smem:$0x3FA5]  }
0x30: {  	s3 =	sld [smem:$0x3FA8]  }
0x31: {  	[smem:$0x3FB1] =	sst s10  }
0x32: {  	s10 =	sld [smem:$0x3FAF];
	_ =	sdelay $0x3  }
0x33: {  	p0 =	seq.s32 s10, $0x1;
	s10 =	sld [smem:$0x3FB1];
	_ =	sdelay $0x3  }
0x34: {  	[smem:$0x3FB1] =	sst s10  }
0x35: {  	s10 =	sld [smem:$0x3FB0];
	_ =	sdelay $0x3  }
0x36: {  	p1 =	seq.s32 s10, $0x1;
	s10 =	sld [smem:$0x3FB1];
	_ =	sdelay $0x3  }
0x37: {  	[smem:$0x3FB1] =	sst s10  }
0x38: {  	s10 =	sld [smem:$0x3FB2]  }
0x39: {  	_ = 	snop;
	(pc) =	sbr.ind lr, $3  }
0x3a: {  	_ = 	snop  }
0x3b: {  	_ = 	snop  }
0x3c: {  	p2 =	seq.s32 s10, $0x1;
	s10 =	sld [smem:$0x3FB1]  }
0x3d: {  	_ =	shalt  }
0x3e: {  	_ =	shalt  }
0x3f: {  	_ =	shalt  }
0x40: {  	_ =	shalt  }
0x41: {  	_ =	shalt  }
0x42: {  	_ =	shalt  }
0x43: {  	_ =	shalt  }
0x44: {  	_ =	shalt  }
0x45: {  	_ =	shalt  }
0x46: {  	_ =	shalt  }
0x47: {  	_ =	shalt  }
0x48: {  	_ =	shalt  }
0x49: {  	_ =	shalt  }
0x4a: {  	_ =	shalt  }
0x4b: {  	_ =	shalt  }
0x4c: {  	_ =	shalt  }
0x4d: {  	_ =	shalt  }
0x4e: {  	_ =	shalt  }
0x4f: {  	_ =	shalt  }
0x50: {  	_ =	shalt  }
0x51: {  	_ =	shalt  }
0x52: {  	_ =	shalt  }
0x53: {  	_ =	shalt  }
0x54: {  	_ =	shalt  }
0x55: {  	_ =	shalt  }
0x56: {  	_ =	shalt  }
0x57: {  	_ =	shalt  }
0x58: {  	_ =	shalt  }
0x59: {  	_ =	shalt  }
0x5a: {  	_ =	shalt  }
0x5b: {  	_ =	shalt  }
0x5c: {  	_ =	shalt  }
0x5d: {  	_ =	shalt  }
0x5e: {  	_ =	shalt  }
0x5f: {  	_ =	shalt  }
0x60: {  	_ =	shalt  }
0x61: {  	_ =	shalt  }
0x62: {  	_ =	shalt  }
0x63: {  	_ =	shalt  }
0x64: {  	_ =	shalt  }
0x65: {  	_ =	shalt  }
0x66: {  	_ =	shalt  }
0x67: {  	_ =	shalt  }
0x68: {  	_ =	shalt  }
0x69: {  	_ =	shalt  }
0x6a: {  	_ =	shalt  }
0x6b: {  	_ =	shalt  }
0x6c: {  	_ =	shalt  }
0x6d: {  	_ =	shalt  }
0x6e: {  	_ =	shalt  }
0x6f: {  	_ =	shalt  }
0x70: {  	_ =	shalt  }
0x71: {  	_ =	shalt  }
0x72: {  	_ =	shalt  }
0x73: {  	_ =	shalt  }
0x74: {  	_ =	shalt  }
0x75: {  	_ =	shalt  }
0x76: {  	_ =	shalt  }
0x77: {  	_ =	shalt  }
0x78: {  	_ =	shalt  }
0x79: {  	_ =	shalt  }
0x7a: {  	_ =	shalt  }
0x7b: {  	_ =	shalt  }
0x7c: {  	_ =	shalt  }
0x7d: {  	_ =	shalt  }
0x7e: {  	_ =	shalt  }
0x7f: {  	_ =	shalt  }
0x80: {  	_ =	shalt  }
0x81: {  	_ =	shalt  }
0x82: {  	_ =	shalt  }
0x83: {  	_ =	shalt  }
0x84: {  	_ =	shalt  }
0x85: {  	_ =	shalt  }
0x86: {  	_ =	shalt  }
0x87: {  	_ =	shalt  }
.Lfunc_end0:
.L_simem_size_0:
called_computation.1_lowered:
.L_overlay_start_0:
0x88: {  	s2 =	sld [smem:$0x3FD9]  }
0x89: {  	s3 =	sld [smem:$0x3FFE];
	_ =	sdelay $0x1  }
0x8a: {  	s1 =	srdreg.scid  }
0x8b: {  	s0 =	sand.u32 $0x1, s1  }
0x8c: {  	s17 =	sshll.u32 s0, $0xA;
	s2 =	sadd.s32 s3, s2  }
0x8d: {  	s2 =	sadd.s32 s2, s17  }
0x8e: {  	[smem:$0x3FBD] =	sst s2  }
0x8f: {  	_ = 	snop  }
0x90: {  	s2 =	sld [smem:$0x3FC7]  }
0x91: {  	s18 =	sld [smem:$0x3FD0];
	(tm) =	ssettm $0x1  }
0x92: {  	s4 =	sld [smem:$0x3FFB];
	_ =	sdelay $0x3  }
0x93: {  	_ =	strace s4  }
0x94: {  	s4 =	sld [smem:$0x3FFC];
	_ =	sdelay $0x3  }
0x95: {  	_ =	strace s4  }
0x96: {  	s4 =	sld [smem:$0x3FFD];
	_ =	sdelay $0x3  }
0x97: {  	_ =	strace s4  }
0x98: {  	_ =	strace $0x8FFFFFFF  }
0x99: {  	s19 =	sld [smem:$0x3FDB];
	_ =	sdelay $0x1  }
0x9a: {  	s5 =	simm.s32 $_scs_section_size  }
0x9b: {  	s6 =	simm.s32 $_size__tile_overlayer_lowered;
	s7 =	simm.s32 $_tile_overlayer_lowered  }
0x9c: {  	s22 =	simm.s32 $0x1BFF;
	s21 =	sshll.u32 s7, $0x1;
	s4 =	sadd.s32 s5, s19  }
0x9d: {  	s8 =	simm.s32 $0x0;
	s20 =	sshll.u32 s6, $0x1;
	s6 =	sadd.s32 s21, s4  }
0x9e: {  	[timem:s8], [sflag:s22] =	dma.local [hbm:s6], s20  }
0x9f: {  	_ =	swait.ge [sflag:s22], s20  }
0xa0: {  	s5 =	ssub.s32 $0x0, s20;
	[sflag:s22] =	ssyncset.done $0x0  }
0xa1: {  	[sflag:s22] =	ssyncadd.s32 s5;
	_ =	sdelay $0x1  }
0xa2: {  	s23 =	simm.s32 $0x1B8B  }
0xa3: {  	_ =	swait.ge [sflag:s23], $0x1  }
0xa4: {  	[sflag:s23] =	ssyncset.done $0x0  }
0xa5: {  	s25 =	simm.s32 $0x1B8E;
	s24 =	sld [smem:$0x3FFE];
	[sflag:s23] =	ssyncadd.s32 $0xFFFFFFFF  }
0xa6: {  	s26 =	simm.s32 $execute0_lowered;
	[smem:$0x3FD2] =	sst s25  }
0xa7: {  	s6 =	sshll.u32 s26, $0x1;
	_ =	strace $0x80000049;
	[dreg:$0x1] =	wrdreg $0xFFFFFFFF  }
0xa8: {  	s28 =	simm.s32 $_size_execute0_lowered;
	s4 =	sadd.s32 s4, s6;
	[dreg:$0x0] =	wrdreg $0x0  }
0xa9: {  	s6 =	sshll.u32 s28, $0x1;
	[dreg:$0x2] =	wrdreg s4  }
0xaa: {  	[dreg:$0x3] =	wrdreg s6  }
0xab: {  	[dreg:$0x4] =	wrdreg $0xC0  }
0xac: {  	_ =	task [dreg:s8], $0x5FFFF  }
0xad: {  	[dreg:$0x1] =	wrdreg $0xFFFFFFFF  }
0xae: {  	[dreg:$0x0] =	wrdreg $0x60  }
0xaf: {  	[dreg:$0x2] =	wrdreg s24  }
0xb0: {  	[dreg:$0x3] =	wrdreg s18  }
0xb1: {  	[dreg:$0x4] =	wrdreg s2  }
0xb2: {  	[dreg:$0x5] =	wrdreg $0xB7C00  }
0xb3: {  	[dreg:$0x6] =	wrdreg $0x9  }
0xb4: {  	_ =	task.clear_ibuf [dreg:s8], $0x7FFFF;
	_ =	strace $0x90000049  }
0xb5: {  	s29 =	simm.s32 $0x9;
	_ =	strace $0x8000004B  }
0xb6: {  	_ =	swait.ge [sflag:s29], $0x1  }
0xb7: {  	[sflag:s29] =	ssyncadd.s32 $0xFFFFFFFF  }
0xb8: {  	_ =	strace $0x9000004B  }
0xb9: {  	_ =	sfence  }
0xba: {  	s30 =	sld [smem:$0x0];
	_ =	sdelay $0x2  }
0xbb: {  	s31 =	sshll.u32 s1, $0xD;
	s1 =	sshrl.u32 s1, $0x2  }
0xbc: {  	s3 =	sand.u32 $0x4000, s31;
	s1 =	sadd.s32 s1, s30  }
0xbd: {  	s0 =	sor.u32 s3, s0;
	s1 =	sshll.u32 s1, $0x11  }
0xbe: {  	s0 =	sor.u32 s1, s0  }
0xbf: {  	s0 =	sadd.s32 $0x8F2B, s0  }
0xc0: {  	[sflag:s0] =	ssyncadd.remote.s32 $0x1  }
0xc1: {  	_ =	sfence.sel $0xFFFF  }
0xc2: {  	[dreg:$0x0] =	wrdreg $0xFFFFFFFF;
	(pc) =	sbr.abs _section_cstart, $3  }
0xc3: {  	[dreg:$0x1] =	wrdreg $0xFFFFFFFF  }
0xc4: {  	_ =	task.clear_ibuf [dreg:s8], $0x2FFFF;
	_ =	strace $0x9FFFFFFF  }
0xc5: {  	(tm) =	ssettm $0x7FFFFFFF  }
tec
execute0_lowered:
.L_overlay_start_1:
0x0: {  	(tag) =	ssettag $0x1  }
0x1: {  	s6 =	rddreg [dreg:$0x0]  }
0x2: {  	s0 =	srdreg.scid;
	s1 =	rddreg [dreg:$0x1]  }
0x3: {  	s22 =	stileid.u32;
	s2 =	rddreg [dreg:$0x2]  }
0x4: {  	s3 =	simm.s32 $0x0;
	s4 =	sand.u32 $0x1, s0;
	s19 =	smul.u32 $0x280, s22  }
0x5: {  	[smem:$0x7FF] =	sst s3;
	s12 =	sadd.s32 $0xAB200, s6;
	s7 =	smul.u32 $0x222E0, s4  }
0x6: {  	s30 =	sadd.s32 $0xA0E00, s6;
	s8 =	smul.u32 $0x514, s4;
	s5 =	ssub.s32 $0x2, s4  }
0x7: {  	s11 =	smul.u32 $0x111700, s4;
	s9 =	smin.u32 s19, $0x2490;
	s10 =	sshrl.u32 s5, $0x1  }
0x8: {  	s0 =	smul.u32 $0x70, s9;
	s10 =	ssub.s32 s5, s10;
	s8 =	sadd.s32 s8, s6  }
0x9: {  	s7 =	sadd.s32 s7, s6;
	s9 =	smul.u32 $0x1C0, s9;
	s31 =	sadd.s32 $0xA0200, s8  }
0xa: {  	s8 =	sadd.s32 $0x9F600, s8;
	s4 =	sadd.s32 $0x2300, s0;
	s13 =	sadd.s32 s11, s0  }
0xb: {  	s5 =	sadd.s32 $0x4600, s0;
	s16 =	sadd.s32 $0x8C00, s0;
	s18 =	sadd.s32 $0xAF00, s0  }
0xc: {  	s19 =	sadd.s32 $0xD200, s0;
	s14 =	sadd.s32 s11, s4;
	s13 =	sshrl.u32 s13, $0x3  }
0xd: {  	s15 =	sadd.s32 s11, s5;
	s24 =	sadd.s32 s11, s16;
	s17 =	sadd.s32 s11, s18  }
0xe: {  	s28 =	sadd.s32 s11, s19;
	s14 =	sshrl.u32 s14, $0x3;
	s13 =	sadd.s32 s12, s13  }
0xf: {  	s21 =	sshrl.u32 s15, $0x3;
	s15 =	sshrl.u32 s24, $0x3;
	s26 =	sshrl.u32 s17, $0x3  }
0x10: {  	s17 =	sadd.s32 $0x95400, s6;
	[dreg:$0x5] =	wrdreg s13;
	s20 =	sadd.s32 s12, s14  }
0x11: {  	s24 =	smax.u32 s10, $0x1;
	s13 =	sadd.s32 s12, s21;
	[dreg:$0x6] =	wrdreg s20  }
0x12: {  	s25 =	sadd.s32 s12, s15;
	s21 =	sadd.s32 $0xF500, s0;
	[dreg:$0x7] =	wrdreg s13  }
0x13: {  	s13 =	sadd.s32 $0x6900, s0;
	[dreg:$0x9] =	wrdreg s25;
	s29 =	sadd.s32 s11, s21  }
0x14: {  	s20 =	sadd.s32 $0x50E00, s7;
	s23 =	sadd.s32 s11, s13;
	s11 =	rddreg [dreg:$0x3]  }
0x15: {  	s15 =	sshrl.u32 s29, $0x3;
	s29 =	sadd.s32 $0x23000, s9;
	s14 =	sshrl.u32 s23, $0x3  }
0x16: {  	s23 =	sadd.s32 $0x8C00, s9;
	s0 =	sadd.s32 s0, s11;
	s14 =	sadd.s32 s12, s14  }
0x17: {  	s4 =	sadd.s32 s4, s11;
	[dreg:$0x8] =	wrdreg s14;
	s14 =	sadd.s32 s12, s26  }
0x18: {  	s5 =	sadd.s32 s5, s11;
	[dreg:$0xa] =	wrdreg s14;
	s14 =	sshrl.u32 s28, $0x3  }
0x19: {  	s25 =	sshrl.u32 s23, $0x2;
	s23 =	sadd.s32 s13, s11;
	s14 =	sadd.s32 s12, s14  }
0x1a: {  	s0 =	sshrl.u32 s0, $0x3;
	s12 =	sadd.s32 s12, s15;
	[dreg:$0xb] =	wrdreg s14  }
0x1b: {  	s13 =	simm.s32 $0x28A0;
	s26 =	sadd.s32 $0x11800, s9;
	[dreg:$0xc] =	wrdreg s12  }
0x1c: {  	s28 =	sadd.s32 $0x1A400, s9;
	_ =	strace $0x8000004A;
	[dreg:$0xd] =	wrdreg s30  }
0x1d: {  	s15 =	sadd.s32 $0xA1200, s6;
	s7 =	sshrl.u32 s28, $0x2;
	[dreg:$0xe] =	wrdreg s31  }
0x1e: {  	s28 =	sadd.s32 s21, s11;
	s21 =	simm.s32 $0x70D0;
	[dreg:$0xf] =	wrdreg s8  }
0x1f: {  	s14 =	sadd.s32 $0xA6200, s6;
	s12 =	sshrl.u32 s9, $0x2;
	[dreg:$0x10] =	wrdreg s24  }
0x20: {  	s6 =	sadd.s32 s12, s11;
	s30 =	sadd.s32 s7, s11;
	s31 =	sshrl.u32 s29, $0x2  }
0x21: {  	s7 =	sadd.s32 $0x2BC00, s9;
	s8 =	sadd.s32 $0x34800, s9;
	s9 =	sadd.s32 $0x3D400, s9  }
0x22: {  	s24 =	sadd.s32 s16, s11;
	[dreg:$0x19] =	wrdreg s0;
	s29 =	sshrl.u32 s4, $0x3  }
0x23: {  	s16 =	simm.s32 $0x71C0;
	[dreg:$0x11] =	wrdreg s6;
	s6 =	sadd.s32 s25, s11  }
0x24: {  	[dreg:$0x14] =	wrdreg s30;
	s12 =	sshrl.u32 s9, $0x2;
	s25 =	sadd.s32 s18, s11  }
0x25: {  	[dreg:$0x1a] =	wrdreg s29;
	s30 =	sshrl.u32 s5, $0x3;
	s5 =	sshrl.u32 s24, $0x3  }
0x26: {  	s9 =	smul.u32 $0x7D, s22;
	s18 =	simm.s32 $0x94C0;
	s22 =	simm.s32 $0x7120  }
0x27: {  	s24 =	simm.s32 $0x1;
	[dreg:$0x12] =	wrdreg s6;
	s6 =	sshrl.u32 s26, $0x2  }
0x28: {  	s26 =	sadd.s32 s19, s11;
	[dreg:$0x1b] =	wrdreg s30;
	s6 =	sadd.s32 s6, s11  }
0x29: {  	s19 =	simm.s32 $0x7080;
	[dreg:$0x13] =	wrdreg s6;
	s6 =	sadd.s32 s31, s11  }
0x2a: {  	s31 =	sshrl.u32 s23, $0x3;
	s23 =	simm.s32 $0x7170;
	[dreg:$0x15] =	wrdreg s6  }
0x2b: {  	s6 =	sshrl.u32 s7, $0x2;
	s7 =	sshrl.u32 s8, $0x2;
	[dreg:$0x1c] =	wrdreg s31  }
0x2c: {  	s8 =	sshrl.u32 s28, $0x3;
	s6 =	sadd.s32 s6, s11;
	s10 =	sadd.s32 s7, s11  }
0x2d: {  	s7 =	sshrl.u32 s26, $0x3;
	s26 =	simm.s32 $0x0;
	[dreg:$0x16] =	wrdreg s6  }
0x2e: {  	[dreg:$0x17] =	wrdreg s10;
	s6 =	sadd.s32 s12, s11;
	s12 =	simm.s32 $0x2  }
0x2f: {  	v0 =	vlaneseq.u32;
	[dreg:$0x18] =	wrdreg s6;
	s6 =	sshrl.u32 s25, $0x3;
	s25 =	simm.s32 $0x50  }
.LBB2_1:
0x30: {  	s0 =	rddreg [dreg:$0xe]  }
0x31: {  	[tilespmem:s3], [sflag:$0x2] =	stream.linear.gather [hbm4b:s0+s3], $0x28A0, $0x38;
	[tilespmem:$0x1C930] =	vst v63  }
0x32: {  	_ =	swait.ge [sflag:s12], $0x28A0  }
0x33: {  	[sflag:s12] =	ssyncset.done $0x0  }
0x34: {  	s4 =	rddreg [dreg:$0xf];
	[sflag:s12] =	ssyncadd.s32 $0xFFFFD760  }
0x35: {  	[tilespmem:s13], [sflag:$0x2] =	stream.linear.gather [hbm4b:s4+s3], $0x28A0, $0x38;
	[tilespmem:$0x1C930] =	vst v63  }
0x36: {  	_ =	swait.ge [sflag:s12], $0x28A0  }
0x37: {  	[sflag:s12] =	ssyncset.done $0x0  }
0x38: {  	s4 =	simm.s32 $0x5140;
	s10 =	rddreg [dreg:$0xd];
	[sflag:s12] =	ssyncadd.s32 $0xFFFFD760  }
0x39: {  	[tilespmem:s4], [sflag:$0x2] =	stream.linear.gather [hbm4b:s10+s3], $0x1F40, $0x38;
	[tilespmem:$0x1C930] =	vst v63  }
0x3a: {  	_ =	swait.ge [sflag:s12], $0x1F40  }
0x3b: {  	[sflag:s12] =	ssyncset.done $0x0  }
0x3c: {  	[sflag:s12] =	ssyncadd.s32 $0xFFFFE0C0  }
0x3d: {  	[tilespmem:s16], [sflag:$0x2] =	stream.linear.gather [hbm4b:s17+s3], $0x2300, $0x38;
	[tilespmem:$0x1C930] =	vst v63  }
0x3e: {  	_ =	swait.ge [sflag:s12], $0x2300  }
0x3f: {  	[sflag:s12] =	ssyncset.done $0x0  }
0x40: {  	[sflag:s12] =	ssyncadd.s32 $0xFFFFDD00  }
0x41: {  	[tilespmem:s18], [sflag:$0x2] =	stream.linear.gather [hbm4b:s17+s3], $0x2300, $0x38;
	[tilespmem:$0x1C930] =	vst v63  }
0x42: {  	_ =	swait.ge [sflag:s12], $0x2300  }
0x43: {  	[sflag:s12] =	ssyncset.done $0x0  }
0x44: {  	s29 =	rddreg [dreg:$0x11];
	[sflag:s12] =	ssyncadd.s32 $0xFFFFDD00  }
0x45: {  	[spmem:s29] =	stream.linear.scatter [tilespmem:s16], [sflag:$0x2], $0x2300, $0x38;
	[tilespmem:$0x1C930] =	vst v63  }
0x46: {  	_ =	swait.ge [sflag:s12], $0x2300  }
0x47: {  	[sflag:s12] =	ssyncset.done $0x0  }
0x48: {  	s30 =	rddreg [dreg:$0x12];
	[sflag:s12] =	ssyncadd.s32 $0xFFFFDD00  }
0x49: {  	[spmem:s30] =	stream.linear.scatter [tilespmem:s16], [sflag:$0x2], $0x2300, $0x38;
	[tilespmem:$0x1C930] =	vst v63  }
0x4a: {  	_ =	swait.ge [sflag:s12], $0x2300  }
0x4b: {  	[sflag:s12] =	ssyncset.done $0x0  }
0x4c: {  	s31 =	rddreg [dreg:$0x13];
	[sflag:s12] =	ssyncadd.s32 $0xFFFFDD00  }
0x4d: {  	[spmem:s31] =	stream.linear.scatter [tilespmem:s16], [sflag:$0x2], $0x2300, $0x38;
	[tilespmem:$0x1C930] =	vst v63  }
0x4e: {  	_ =	swait.ge [sflag:s12], $0x2300  }
0x4f: {  	[sflag:s12] =	ssyncset.done $0x0  }
0x50: {  	s4 =	rddreg [dreg:$0x14];
	[sflag:s12] =	ssyncadd.s32 $0xFFFFDD00  }
0x51: {  	[spmem:s4] =	stream.linear.scatter [tilespmem:s16], [sflag:$0x2], $0x2300, $0x38;
	[tilespmem:$0x1C930] =	vst v63  }
0x52: {  	_ =	swait.ge [sflag:s12], $0x2300  }
0x53: {  	[sflag:s12] =	ssyncset.done $0x0  }
0x54: {  	s10 =	rddreg [dreg:$0x15];
	[sflag:s12] =	ssyncadd.s32 $0xFFFFDD00  }
0x55: {  	[spmem:s10] =	stream.linear.scatter [tilespmem:s16], [sflag:$0x2], $0x2300, $0x38;
	[tilespmem:$0x1C930] =	vst v63  }
0x56: {  	_ =	swait.ge [sflag:s12], $0x2300  }
0x57: {  	[sflag:s12] =	ssyncset.done $0x0  }
0x58: {  	s29 =	rddreg [dreg:$0x16];
	[sflag:s12] =	ssyncadd.s32 $0xFFFFDD00  }
0x59: {  	[spmem:s29] =	stream.linear.scatter [tilespmem:s16], [sflag:$0x2], $0x2300, $0x38;
	[tilespmem:$0x1C930] =	vst v63  }
0x5a: {  	_ =	swait.ge [sflag:s12], $0x2300  }
0x5b: {  	[sflag:s12] =	ssyncset.done $0x0  }
0x5c: {  	s30 =	rddreg [dreg:$0x17];
	[sflag:s12] =	ssyncadd.s32 $0xFFFFDD00  }
0x5d: {  	[spmem:s30] =	stream.linear.scatter [tilespmem:s16], [sflag:$0x2], $0x2300, $0x38;
	[tilespmem:$0x1C930] =	vst v63  }
0x5e: {  	_ =	swait.ge [sflag:s12], $0x2300  }
0x5f: {  	[sflag:s12] =	ssyncset.done $0x0  }
0x60: {  	s31 =	rddreg [dreg:$0x18];
	[sflag:s12] =	ssyncadd.s32 $0xFFFFDD00  }
0x61: {  	[spmem:s31] =	stream.linear.scatter [tilespmem:s16], [sflag:$0x2], $0x2300, $0x38;
	[tilespmem:$0x1C930] =	vst v63  }
0x62: {  	_ =	swait.ge [sflag:s12], $0x2300  }
0x63: {  	[sflag:s12] =	ssyncset.done $0x0  }
0x64: {  	[sflag:s12] =	ssyncadd.s32 $0xFFFFDD00  }
0x65: {  	s28 =	simm.s32 $0x0;
	[bflag:$0x0] =	sbarrier.arrive $0xFFFF  }
.LBB2_2:
0x66: {  	s29 =	sadd.s32 s9, s28  }
0x67: {  	s29 =	smul.u32 $0xA, s29;
	_ =	sdelay $0x1  }
0x68: {  	s30 =	sadd.s32 s14, s29  }
0x69: {  	[tilespmem:s19], [sflag:$0x1] =	stream.linear.gather [hbm4b:s30+s3], $0x50, $0x38;
	[tilespmem:$0x1C930] =	vst v63  }
0x6a: {  	s30 =	sadd.s32 s1, s29  }
0x6b: {  	[tilespmem:s21], [sflag:$0x1] =	stream.linear.gather [hbm4b:s30+s3], $0x50, $0x38;
	[tilespmem:$0x1C930] =	vst v63  }
0x6c: {  	s30 =	sadd.s32 s2, s29  }
0x6d: {  	[tilespmem:s22], [sflag:$0x1] =	stream.linear.gather [hbm4b:s30+s3], $0x50, $0x38;
	[tilespmem:$0x1C930] =	vst v63  }
0x6e: {  	s29 =	sadd.s32 s15, s29  }
0x6f: {  	[tilespmem:s23], [sflag:$0x1] =	stream.linear.gather [hbm4b:s29+s3], $0x50, $0x38;
	[tilespmem:$0x1C930] =	vst v63  }
0x70: {  	_ =	swait.ge [sflag:s24], $0x50  }
0x71: {  	[sflag:s24] =	ssyncset.done $0x0  }
0x72: {  	[sflag:s24] =	ssyncadd.s32 $0xFFFFFFB0  }
0x73: {  	_ =	swait.ge [sflag:s24], $0x50  }
0x74: {  	[sflag:s24] =	ssyncset.done $0x0  }
0x75: {  	[sflag:s24] =	ssyncadd.s32 $0xFFFFFFB0  }
0x76: {  	_ =	swait.ge [sflag:s24], $0x50  }
0x77: {  	[sflag:s24] =	ssyncset.done $0x0  }
0x78: {  	[sflag:s24] =	ssyncadd.s32 $0xFFFFFFB0  }
0x79: {  	_ =	swait.ge [sflag:s24], $0x50  }
0x7a: {  	[sflag:s24] =	ssyncset.done $0x0  }
0x7b: {  	[sflag:s24] =	ssyncadd.s32 $0xFFFFFFB0  }
0x7c: {  	[tilespmem:s16], [sflag:$0x1] =	stream.indirect.gather [hbm4b:s20+s25], $0x70, s19, s25, $0xb8;
	[tilespmem:$0x1C930] =	vst v63  }
0x7d: {  	_ =	swait.ge [sflag:s24], $0x2300  }
0x7e: {  	[sflag:s24] =	ssyncset.done $0x0  }
0x7f: {  	s29 =	simm.s32 $0x5160;
	[sflag:s24] =	ssyncadd.s32 $0xFFFFDD00  }
0x80: {  	v4 =	vld [tilespmem:s29+$0x10];
	_ =	sdelay $0x4  }
0x81: {  	v6 =	vld [tilespmem:s29+$0xFFFFFFF0]  }
0x82: {  	v7 =	vld [tilespmem:s29+$0x0];
	v2 =	vmul.u32 $0xFFFFFF9C, v4  }
0x83: {  	s30 =	simm.s32 $0x30;
	v5 =	vld [tilespmem:s29+$0xFFFFFFE0]  }
0x84: {  	v2 =	vadd.s32 s30, v2;
	v1 =	vld.idx.msk [tilespmem:v4+s22+$0x0], $0xffff  }
0x85: {  	v3 =	vmul.u32 $0x70, v4;
	v2 =	vadd.s32 v0, v2  }
0x86: {  	v9 =	vand.u32 $0xFFFFFFF8, v2  }
0x87: {  	v2 =	vand.u32 $0x7, v2;
	v3 =	vadd.s32 v3, v9  }
0x88: {  	v8 =	vor.u32 v2, v3  }
0x89: {  	v10 =	vld.idx.msk [tilespmem:v6+s22+$0x0], $0xffff;
	v3 =	vxor.u32 $0x1, v8;
	v1 =	vmul.u32 $0x68, v1  }
0x8a: {  	v11 =	vld.idx.msk [tilespmem:v7+s22+$0x0], $0xffff  }
0x8b: {  	v20 =	vld.idx.msk [tilespmem:v4+s23+$0x0], $0xffff;
	v1 =	vadd.s32 v1, v9  }
0x8c: {  	v9 =	vld.idx.msk [tilespmem:v5+s22+$0x0], $0xffff;
	v1 =	vor.u32 v2, v1;
	v2 =	vmul.u32 $0xFFFFFF9C, v5  }
0x8d: {  	s29 =	simm.s32 $0x0;
	v12 =	vld.idx.msk [tilespmem:v8+s16+$0x0], $0xffff  }
0x8e: {  	v13 =	vld.idx.msk [tilespmem:v3+s16+$0x0], $0xffff;
	v2 =	vadd.s32 s29, v2  }
0x8f: {  	s29 =	simm.s32 $0x51A0;
	v16 =	vadd.s32 v0, v2;
	v2 =	vld.idx.msk [tilespmem:v6+s23+$0x0], $0xffff  }
0x90: {  	v3 =	vmul.u32 $0xFFFFFF9C, v6;
	v21 =	vld [tilespmem:s29+$0xFFFFFFE0]  }
0x91: {  	s30 =	simm.s32 $0x10;
	v4 =	vmul.u32 $0xFFFFFF9C, v7;
	v10 =	vmul.u32 $0x68, v10;
	v26 =	vld [tilespmem:s29+$0xFFFFFFF0]  }
0x92: {  	v11 =	vmul.u32 $0x68, v11;
	v3 =	vadd.s32 s30, v3;
	v24 =	vld [tilespmem:s29+$0x10];
	v9 =	vmul.u32 $0x68, v9  }
0x93: {  	s30 =	simm.s32 $0x20;
	v6 =	vmul.u32 $0x70, v6;
	v17 =	vadd.s32 v0, v3;
	v18 =	vand.u32 $0xFFFFFFF8, v16;
	v14 =	vld.idx.msk [tilespmem:v1+s3+$0x0], $0xffff  }
0x94: {  	v16 =	vand.u32 $0x7, v16;
	v4 =	vadd.s32 s30, v4;
	v15 =	vld.idx.msk [tilespmem:v1+s13+$0x0], $0xffff;
	v9 =	vadd.s32 v9, v18  }
0x95: {  	v1 =	vld.idx.msk [tilespmem:v5+s23+$0x0], $0xffff;
	v19 =	vand.u32 $0xFFFFFFF8, v17;
	v5 =	vmul.u32 $0x70, v5;
	v9 =	vor.u32 v16, v9  }
0x96: {  	v3 =	vld.idx.msk [tilespmem:v7+s23+$0x0], $0xffff;
	v7 =	vmul.u32 $0x70, v7;
	v17 =	vand.u32 $0x7, v17;
	v10 =	vadd.s32 v10, v19  }
0x97: {  	v27 =	vld [tilespmem:s29+$0x0];
	v4 =	vadd.s32 v0, v4;
	v10 =	vor.u32 v17, v10;
	v5 =	vadd.s32 v5, v18  }
0x98: {  	v18 =	vadd.s32 v6, v19;
	v19 =	vand.u32 $0xFFFFFFF8, v4;
	v12 =	vmul.f32 v14, v12;
	v14 =	vld.idx.msk [tilespmem:v21+s22+$0x0], $0xffff  }
0x99: {  	v7 =	vadd.s32 v7, v19;
	v6 =	vor.u32 v16, v5;
	v5 =	vadd.s32 v11, v19;
	v19 =	vld.idx.msk [tilespmem:v26+s22+$0x0], $0xffff  }
0x9a: {  	v28 =	vld.idx.msk [tilespmem:v9+s3+$0x0], $0xffff  }
0x9b: {  	v16 =	vmul.u32 $0xFFFFFF9C, v21;
	v29 =	vld.idx.msk [tilespmem:v9+s13+$0x0], $0xffff  }
0x9c: {  	s30 =	simm.s32 $0x40;
	v22 =	vmul.u32 $0xFFFFFF9C, v27;
	v9 =	vand.u32 $0x7, v4;
	v30 =	vld.idx.msk [tilespmem:v10+s3+$0x0], $0xffff;
	v4 =	vor.u32 v17, v18  }
0x9d: {  	v13 =	vmul.f32 v15, v13;
	v16 =	vadd.s32 s30, v16;
	v31 =	vld.idx.msk [tilespmem:v10+s13+$0x0], $0xffff;
	v11 =	vor.u32 v9, v5  }
0x9e: {  	v32 =	vmul.u32 $0x70, v24;
	v15 =	vmul.u32 $0xFFFFFF9C, v24;
	v36 =	vadd.s32 v0, v16;
	v10 =	vld.idx.msk [tilespmem:v24+s22+$0x0], $0xffff  }
0x9f: {  	v23 =	vld.idx.msk [tilespmem:v27+s22+$0x0], $0xffff;
	v12 =	vadd.f32 v13, v12;
	v5 =	vor.u32 v9, v7;
	v7 =	vxor.u32 $0x1, v6  }
0xa0: {  	s29 =	simm.s32 $0x70;
	v17 =	vmul.u32 $0x70, v21;
	v18 =	vmul.u32 $0xFFFFFF9C, v26;
	v9 =	vxor.u32 $0x1, v4;
	v38 =	vld.idx.msk [tilespmem:v6+s16+$0x0], $0xffff  }
0xa1: {  	v15 =	vadd.s32 s29, v15;
	v16 =	vand.u32 $0xFFFFFFF8, v36;
	v36 =	vand.u32 $0x7, v36;
	v39 =	vld.idx.msk [tilespmem:v4+s16+$0x0], $0xffff  }
0xa2: {  	v15 =	vadd.s32 v0, v15;
	v13 =	vxor.u32 $0x1, v5;
	v12 =	vmul.f32 v12, v20;
	v33 =	vld.idx.msk [tilespmem:v11+s3+$0x0], $0xffff  }
0xa3: {  	s31 =	simm.s32 $0x50;
	v20 =	vmul.u32 $0x70, v26;
	v34 =	vand.u32 $0xFFFFFFF8, v15;
	v10 =	vmul.u32 $0x68, v10;
	v35 =	vld.idx.msk [tilespmem:v11+s13+$0x0], $0xffff  }
0xa4: {  	v18 =	vadd.s32 s31, v18;
	v11 =	vand.u32 $0x7, v15;
	v15 =	vadd.s32 v32, v34;
	v62 =	vld.idx.msk [tilespmem:v7+s16+$0x0], $0xffff  }
0xa5: {  	v37 =	vld.idx.msk [tilespmem:v9+s16+$0x0], $0xffff;
	v9 =	vadd.s32 v0, v18;
	v7 =	vor.u32 v11, v15;
	v10 =	vadd.s32 v10, v34  }
0xa6: {  	v40 =	vld.idx.msk [tilespmem:v5+s16+$0x0], $0xffff;
	v18 =	vand.u32 $0xFFFFFFF8, v9;
	v11 =	vor.u32 v11, v10;
	v10 =	vmul.u32 $0x68, v19  }
0xa7: {  	v63 =	vld.idx.msk [tilespmem:v13+s16+$0x0], $0xffff;
	v41 =	vand.u32 $0x7, v9;
	v15 =	vxor.u32 $0x1, v7;
	v20 =	vadd.s32 v20, v18  }
0xa8: {  	v17 =	vadd.s32 v17, v16;
	v9 =	vor.u32 v41, v20;
	v20 =	vld.idx.msk [tilespmem:v26+s23+$0x0], $0xffff;
	v18 =	vadd.s32 v10, v18  }
0xa9: {  	s30 =	simm.s32 $0x60;
	v14 =	vmul.u32 $0x68, v14;
	v10 =	vor.u32 v36, v17;
	v17 =	vor.u32 v41, v18;
	v18 =	vld.idx.msk [tilespmem:v21+s23+$0x0], $0xffff  }
0xaa: {  	v25 =	vmul.u32 $0x70, v27;
	v22 =	vadd.s32 s30, v22;
	v21 =	vld.idx.msk [tilespmem:v27+s23+$0x0], $0xffff  }
0xab: {  	v14 =	vadd.s32 v14, v16;
	v13 =	vadd.s32 v0, v22;
	v22 =	vmul.u32 $0x68, v23;
	v16 =	vld.idx.msk [tilespmem:v7+s16+$0x0], $0xffff  }
0xac: {  	[tilespmem:v8+s18+$0x0] =	vst.idx.msk $0xffff, v12;
	v8 =	vmul.f32 v28, v38;
	v23 =	vand.u32 $0xFFFFFFF8, v13;
	v19 =	vld.idx.msk [tilespmem:v15+s16+$0x0], $0xffff  }
0xad: {  	v42 =	vadd.s32 v25, v23;
	v26 =	vmul.f32 v29, v62;
	v15 =	vadd.s32 v22, v23;
	v23 =	vld.idx.msk [tilespmem:v11+s3+$0x0], $0xffff  }
0xae: {  	v13 =	vand.u32 $0x7, v13;
	v27 =	vmul.f32 v30, v39;
	v28 =	vmul.f32 v31, v37;
	v25 =	vld.idx.msk [tilespmem:v11+s13+$0x0], $0xffff  }
0xaf: {  	v12 =	vor.u32 v13, v42;
	v29 =	vmul.f32 v33, v40;
	v30 =	vmul.f32 v35, v63  }
0xb0: {  	v22 =	vor.u32 v36, v14;
	v14 =	vxor.u32 $0x1, v10;
	v11 =	vxor.u32 $0x1, v9  }
0xb1: {  	s30 =	simm.s32 $0x4;
	v24 =	vld.idx.msk [tilespmem:v24+s23+$0x0], $0xffff;
	s31 =	simm.s32 $0x51E0;
	v26 =	vadd.f32 v26, v8;
	v15 =	vor.u32 v13, v15;
	v13 =	vxor.u32 $0x1, v12  }
.LBB2_3:
0xb2: {  	v8 =	vld [tilespmem:s31+$0x10];
	v27 =	vadd.f32 v28, v27  }
0xb3: {  	s30 =	sadd.s32 $0x4, s30;
	v16 =	vmul.f32 v23, v16;
	v19 =	vmul.f32 v25, v19;
	v28 =	vld [tilespmem:s31+$0xFFFFFFE0];
	v23 =	vadd.f32 v30, v29  }
0xb4: {  	p0 =	slt.u32 s30, $0x1F0;
	v25 =	vmul.f32 v26, v1;
	v1 =	vmov v18;
	v29 =	vld [tilespmem:s31+$0xFFFFFFF0];
	v26 =	vmul.f32 v27, v2  }
0xb5: {  	v16 =	vadd.f32 v19, v16;
	v2 =	vmov v20;
	v27 =	vld [tilespmem:s31+$0x0];
	v18 =	vmul.f32 v23, v3  }
0xb6: {  	v3 =	vmov v21;
	v30 =	vld.idx.msk [tilespmem:v22+s3+$0x0], $0xffff;
	[tilespmem:v6+s18+$0x0] =	vst.idx.msk $0xffff, v25;
	v6 =	vmov v10  }
0xb7: {  	v10 =	vmul.f32 v16, v24;
	v21 =	vld.idx.msk [tilespmem:v22+s13+$0x0], $0xffff;
	[tilespmem:v4+s18+$0x0] =	vst.idx.msk $0xffff, v26;
	v4 =	vmov v9  }
0xb8: {  	v9 =	vmul.u32 $0xFFFFFF9C, v28;
	v16 =	vmul.u32 $0x70, v28;
	v24 =	vld.idx.msk [tilespmem:v17+s3+$0x0], $0xffff;
	[tilespmem:v5+s18+$0x0] =	vst.idx.msk $0xffff, v18;
	v5 =	vmov v12  }
0xb9: {  	v12 =	vmul.u32 $0xFFFFFF9C, v29;
	v18 =	vmul.u32 $0x70, v29;
	v26 =	vld.idx.msk [tilespmem:v17+s13+$0x0], $0xffff;
	[tilespmem:v7+s18+$0x0] =	vst.idx.msk $0xffff, v10  }
0xba: {  	v7 =	vmul.u32 $0xFFFFFF9C, v27;
	v10 =	vmul.u32 $0x70, v27;
	v17 =	vld.idx.msk [tilespmem:v8+s22+$0x0], $0xffff  }
0xbb: {  	v20 =	vmul.u32 $0xFFFFFF9C, v8;
	v19 =	vld.idx.msk [tilespmem:v28+s22+$0x0], $0xffff  }
0xbc: {  	s29 =	sadd.s32 $0x40, s29;
	v22 =	vld.idx.msk [tilespmem:v29+s22+$0x0], $0xffff  }
0xbd: {  	s10 =	sadd.s32 $0xFFFFFFD0, s29;
	s0 =	sadd.s32 $0xFFFFFFE0, s29;
	s4 =	sadd.s32 $0xFFFFFFF0, s29;
	v20 =	vadd.s32 s29, v20;
	v23 =	vld.idx.msk [tilespmem:v27+s22+$0x0], $0xffff  }
0xbe: {  	v25 =	vmul.u32 $0x70, v8;
	v9 =	vadd.s32 s10, v9;
	v20 =	vadd.s32 v0, v20;
	v31 =	vld.idx.msk [tilespmem:v15+s3+$0x0], $0xffff  }
0xbf: {  	v12 =	vadd.s32 s0, v12;
	v33 =	vand.u32 $0xFFFFFFF8, v20;
	v32 =	vadd.s32 s4, v7;
	v34 =	vld.idx.msk [tilespmem:v15+s13+$0x0], $0xffff  }
0xc0: {  	v7 =	vadd.s32 v25, v33;
	v15 =	vand.u32 $0x7, v20;
	v17 =	vmul.u32 $0x68, v17;
	v35 =	vld.idx.msk [tilespmem:v14+s16+$0x0], $0xffff  }
0xc1: {  	v9 =	vadd.s32 v0, v9;
	v12 =	vadd.s32 v0, v12;
	v7 =	vor.u32 v15, v7;
	v36 =	vld.idx.msk [tilespmem:v11+s16+$0x0], $0xffff  }
0xc2: {  	v11 =	vadd.s32 v0, v32;
	v14 =	vxor.u32 $0x1, v7;
	v17 =	vadd.s32 v17, v33;
	v32 =	vld.idx.msk [tilespmem:v13+s16+$0x0], $0xffff  }
0xc3: {  	v13 =	vmul.u32 $0x68, v19;
	v19 =	vmul.u32 $0x68, v22;
	v15 =	vor.u32 v15, v17;
	v33 =	vld.idx.msk [tilespmem:v6+s16+$0x0], $0xffff  }
0xc4: {  	v20 =	vand.u32 $0xFFFFFFF8, v12;
	v17 =	vand.u32 $0xFFFFFFF8, v9;
	v22 =	vmul.u32 $0x68, v23;
	v37 =	vld.idx.msk [tilespmem:v4+s16+$0x0], $0xffff  }
0xc5: {  	v18 =	vadd.s32 v18, v20;
	v25 =	vand.u32 $0xFFFFFFF8, v11;
	v23 =	vadd.s32 v16, v17;
	v38 =	vld.idx.msk [tilespmem:v5+s16+$0x0], $0xffff  }
0xc6: {  	v39 =	vand.u32 $0x7, v9;
	v12 =	vand.u32 $0x7, v12;
	v40 =	vadd.s32 v10, v25;
	v16 =	vld.idx.msk [tilespmem:v7+s16+$0x0], $0xffff  }
0xc7: {  	v13 =	vadd.s32 v13, v17;
	v17 =	vadd.s32 v19, v20;
	v20 =	vand.u32 $0x7, v11;
	v19 =	vld.idx.msk [tilespmem:v14+s16+$0x0], $0xffff  }
0xc8: {  	v9 =	vor.u32 v12, v18;
	v10 =	vor.u32 v39, v23;
	v41 =	vadd.s32 v22, v25;
	v23 =	vld.idx.msk [tilespmem:v15+s3+$0x0], $0xffff  }
.Ltmp0:
0xc9: {  	v22 =	vor.u32 v39, v13;
	v17 =	vor.u32 v12, v17;
	v12 =	vor.u32 v20, v40;
	v25 =	vld.idx.msk [tilespmem:v15+s13+$0x0], $0xffff;
	(pc) =	sbr.rel @p0 .LBB2_3-.Ltmp0, $4  }
0xca: {  	v11 =	vxor.u32 $0x1, v9;
	v14 =	vxor.u32 $0x1, v10;
	v15 =	vor.u32 v20, v41;
	v18 =	vld.idx.msk [tilespmem:v28+s23+$0x0], $0xffff  }
0xcb: {  	v13 =	vxor.u32 $0x1, v12;
	v20 =	vld.idx.msk [tilespmem:v29+s23+$0x0], $0xffff;
	v29 =	vmul.f32 v30, v33;
	v30 =	vmul.f32 v21, v35  }
0xcc: {  	v28 =	vmul.f32 v26, v36;
	v21 =	vld.idx.msk [tilespmem:v27+s23+$0x0], $0xffff;
	v27 =	vmul.f32 v24, v37  }
0xcd: {  	s31 =	sadd.s32 $0x40, s31;
	v24 =	vld.idx.msk [tilespmem:v8+s23+$0x0], $0xffff;
	v26 =	vadd.f32 v30, v29;
	v29 =	vmul.f32 v31, v38;
	v30 =	vmul.f32 v34, v32  }
0xce: {  	_ =	sdelay $0x3  }
0xcf: {  	v8 =	vld.idx.msk [tilespmem:v22+s3+$0x0], $0xffff  }
0xd0: {  	v56 =	vld.idx.msk [tilespmem:v22+s13+$0x0], $0xffff  }
0xd1: {  	v31 =	vld.idx.msk [tilespmem:v17+s3+$0x0], $0xffff  }
0xd2: {  	v57 =	vld.idx.msk [tilespmem:v17+s13+$0x0], $0xffff  }
0xd3: {  	v32 =	vld.idx.msk [tilespmem:v15+s3+$0x0], $0xffff  }
0xd4: {  	v58 =	vld.idx.msk [tilespmem:v15+s13+$0x0], $0xffff  }
0xd5: {  	v14 =	vld.idx.msk [tilespmem:v14+s16+$0x0], $0xffff  }
0xd6: {  	v11 =	vld.idx.msk [tilespmem:v11+s16+$0x0], $0xffff  }
0xd7: {  	v13 =	vld.idx.msk [tilespmem:v13+s16+$0x0], $0xffff  }
0xd8: {  	v33 =	vld.idx.msk [tilespmem:v10+s16+$0x0], $0xffff  }
0xd9: {  	v34 =	vld.idx.msk [tilespmem:v9+s16+$0x0], $0xffff  }
0xda: {  	v27 =	vadd.f32 v28, v27;
	v16 =	vmul.f32 v23, v16;
	v60 =	vld.idx.msk [tilespmem:v12+s16+$0x0], $0xffff;
	v59 =	vadd.f32 v30, v29  }
0xdb: {  	v19 =	vmul.f32 v25, v19;
	v1 =	vmul.f32 v26, v1  }
0xdc: {  	v2 =	vmul.f32 v27, v2;
	v3 =	vmul.f32 v59, v3  }
0xdd: {  	v16 =	vadd.f32 v19, v16;
	v8 =	vmul.f32 v8, v33;
	v14 =	vmul.f32 v56, v14  }
0xde: {  	[tilespmem:v6+s18+$0x0] =	vst.idx.msk $0xffff, v1;
	v1 =	vmul.f32 v31, v34;
	v61 =	vmul.f32 v57, v11  }
0xdf: {  	v62 =	vmul.f32 v32, v60;
	v13 =	vmul.f32 v58, v13;
	v8 =	vadd.f32 v14, v8  }
0xe0: {  	v63 =	vmul.f32 v16, v24;
	[tilespmem:v4+s18+$0x0] =	vst.idx.msk $0xffff, v2;
	v1 =	vadd.f32 v61, v1  }
0xe1: {  	[tilespmem:v5+s18+$0x0] =	vst.idx.msk $0xffff, v3;
	v2 =	vadd.f32 v13, v62;
	v3 =	vmul.f32 v8, v18  }
0xe2: {  	[tilespmem:v7+s18+$0x0] =	vst.idx.msk $0xffff, v63;
	v1 =	vmul.f32 v1, v20  }
0xe3: {  	s28 =	sadd.s32 $0x1, s28;
	v2 =	vmul.f32 v2, v21;
	[tilespmem:v10+s18+$0x0] =	vst.idx.msk $0xffff, v3  }
0xe4: {  	p0 =	sne.s32 s28, $0x7D;
	[tilespmem:v9+s18+$0x0] =	vst.idx.msk $0xffff, v1  }
.Ltmp1:
0xe5: {  	[tilespmem:v12+s18+$0x0] =	vst.idx.msk $0xffff, v2;
	(pc) =	sbr.rel @p0 .LBB2_2-.Ltmp1, $4  }
0xe6: {  	[spmem:s11] =	stream.indirect.scatter.add.f32 [tilespmem:s18], [sflag:$0x2], $0x70, s21, s25, $0xb8;
	[tilespmem:$0x1C930] =	vst v63  }
0xe7: {  	_ =	swait.ge [sflag:s12], $0x2300  }
0xe8: {  	[sflag:s12] =	ssyncset.done $0x0  }
0xe9: {  	[sflag:s12] =	ssyncadd.s32 $0xFFFFDD00  }
0xea: {  	s0 =	stileid.u32;
	[bflag:$0x0] =	sbarrier.arrive $0xFFFF  }
0xeb: {  	s0 =	sshll.u32 s0, $0x6;
	s4 =	rddreg [dreg:$0x5]  }
0xec: {  	s10 =	rddreg [dreg:$0x19];
	s0 =	sor.u32 $0x1C02, s0  }
0xed: {  	[hbm:s4], [sflag:s0] =	dma.local [spmem:s10], $0x460  }
0xee: {  	_ =	swait.ge [sflag:s12], $0x460  }
0xef: {  	[sflag:s12] =	ssyncset.done $0x0;
	s30 =	rddreg [dreg:$0x6]  }
0xf0: {  	s31 =	rddreg [dreg:$0x1a];
	[sflag:s12] =	ssyncadd.s32 $0xFFFFFBA0  }
0xf1: {  	[hbm:s30], [sflag:s0] =	dma.local [spmem:s31], $0x460  }
0xf2: {  	_ =	swait.ge [sflag:s12], $0x460  }
0xf3: {  	[sflag:s12] =	ssyncset.done $0x0;
	s28 =	rddreg [dreg:$0x7]  }
0xf4: {  	s29 =	rddreg [dreg:$0x1b];
	[sflag:s12] =	ssyncadd.s32 $0xFFFFFBA0  }
0xf5: {  	[hbm:s28], [sflag:s0] =	dma.local [spmem:s29], $0x460  }
0xf6: {  	_ =	swait.ge [sflag:s12], $0x460  }
0xf7: {  	[sflag:s12] =	ssyncset.done $0x0;
	s30 =	rddreg [dreg:$0x8]  }
0xf8: {  	s31 =	rddreg [dreg:$0x1c];
	[sflag:s12] =	ssyncadd.s32 $0xFFFFFBA0  }
0xf9: {  	[hbm:s30], [sflag:s0] =	dma.local [spmem:s31], $0x460  }
0xfa: {  	_ =	swait.ge [sflag:s12], $0x460  }
0xfb: {  	[sflag:s12] =	ssyncset.done $0x0  }
0xfc: {  	s10 =	rddreg [dreg:$0x9];
	[sflag:s12] =	ssyncadd.s32 $0xFFFFFBA0  }
0xfd: {  	[hbm:s10], [sflag:s0] =	dma.local [spmem:s5], $0x460  }
0xfe: {  	_ =	swait.ge [sflag:s12], $0x460  }
0xff: {  	[sflag:s12] =	ssyncset.done $0x0  }
0x100: {  	s28 =	rddreg [dreg:$0xa];
	[sflag:s12] =	ssyncadd.s32 $0xFFFFFBA0  }
0x101: {  	[hbm:s28], [sflag:s0] =	dma.local [spmem:s6], $0x460  }
0x102: {  	_ =	swait.ge [sflag:s12], $0x460  }
0x103: {  	[sflag:s12] =	ssyncset.done $0x0  }
0x104: {  	s29 =	rddreg [dreg:$0xb];
	[sflag:s12] =	ssyncadd.s32 $0xFFFFFBA0  }
0x105: {  	[hbm:s29], [sflag:s0] =	dma.local [spmem:s7], $0x460  }
0x106: {  	_ =	swait.ge [sflag:s12], $0x460  }
0x107: {  	[sflag:s12] =	ssyncset.done $0x0  }
0x108: {  	s30 =	rddreg [dreg:$0xc];
	[sflag:s12] =	ssyncadd.s32 $0xFFFFFBA0  }
0x109: {  	[hbm:s30], [sflag:s0] =	dma.local [spmem:s8], $0x460  }
0x10a: {  	_ =	swait.ge [sflag:s12], $0x460  }
0x10b: {  	s26 =	sadd.s32 $0x1, s26;
	s31 =	rddreg [dreg:$0x10]  }
0x10c: {  	p0 =	sne.s32 s26, s31  }
.Ltmp2:
0x10d: {  	_ = 	snop;
	(pc) =	sbr.rel @p0 .LBB2_1-.Ltmp2, $3  }
0x10e: {  	_ =	sdelay $0x1  }
0x10f: {  	[sflag:s12] =	ssyncset.done $0x0  }
0x110: {  	[sflag:s12] =	ssyncadd.s32 $0xFFFFFBA0  }
0x111: {  	_ =	sfence.sel $0x180000  }
0x112: {  	[bflag:$0x0] =	sbarrier.arrive $0xFFFF  }
0x113: {  	_ =	strace $0x9000004A  }
0x114: {  	s0 =	stileid.u32;
	[bflag:$0x2] =	sbarrier.arrive $0xFFFF  }
0x115: {  	p0 =	sne.s32 s0, $0x0;
	s0 =	rddreg [dreg:$0x4]  }
0x116: {  	s0 =	sadd.s32 @!p0 $0x100000, s0  }
0x117: {  	[sflag:s0] =	ssyncadd.tile.s32 @!p0 $0x1;
	_ =	shalt  }
.Lfunc_end2:
_tile_overlayer_lowered:
.L_overlay_start_2:
0x118: {  	(tag) =	ssettag $0x2  }
0x119: {  	s0 =	rddreg [dreg:$0x0];
	s2 =	stileid.u32  }
0x11a: {  	s1 =	rddreg [dreg:$0x1];
	p0 =	sne.s32 s2, $0x0  }
0x11b: {  	s3 =	rddreg [dreg:$0x2];
	[bflag:$0x3] =	sbarrier.arrive $0xFFFF;
	s2 =	simm.s32 @!p0 $0x1C02  }
0x11c: {  	[timem:s3], [sflag:s2] =	dma.local @!p0 [hbm:s0], s1  }
0x11d: {  	s0 =	simm.s32 @!p0 $0x2  }
0x11e: {  	_ =	swait.ge @!p0 [sflag:s0], s1  }
0x11f: {  	s1 =	ssub.s32 @!p0 $0x0, s1;
	[sflag:s0] =	ssyncset.done @!p0 $0x0  }
0x120: {  	[sflag:s0] =	ssyncadd.s32 @!p0 s1  }
0x121: {  	[bflag:$0x3] =	sbarrier.arrive $0xFFFF  }
0x122: {  	_ =	shalt  }

// kernel: kernel.9.cloned.1.call-start
scs
__scs_entry_jumppad:
0x0: {  	(pc) =	sbr.rel $0x88, $3  }
0x1: {  	(tag) =	ssettag $0x0;
	lr =	simm.s32 $0x1  }
0x2: {  	[smem:$0x3F96] =	sst lr;
	_ =	strace $0xD0000000  }
0x3: {  	_ = 	snop  }
0x4: {  	_ = 	snop  }
0x5: {  	_ = 	snop  }
0x6: {  	_ = 	snop  }
0x7: {  	_ = 	snop  }
__scs_overlays_trampoline_lowered:
0x8: {  	[smem:$0x3FA5] =	sst s0  }
0x9: {  	[smem:$0x3FA6] =	sst s1  }
0xa: {  	[smem:$0x3FA7] =	sst s2  }
0xb: {  	[smem:$0x3FA8] =	sst s3  }
0xc: {  	[smem:$0x3FA9] =	sst s4  }
0xd: {  	[smem:$0x3FAA] =	sst s5  }
0xe: {  	[smem:$0x3FAB] =	sst s6  }
0xf: {  	[smem:$0x3FAC] =	sst s7  }
0x10: {  	[smem:$0x3FAD] =	sst s8  }
0x11: {  	[smem:$0x3FAE] =	sst s9;
	s0 =	simm.s32 @!p0 $0x0  }
0x12: {  	s1 =	sld [smem:$0x3F94];
	s0 =	simm.s32 @p0 $0x1  }
0x13: {  	[smem:$0x3FAF] =	sst s0;
	s0 =	simm.s32 @!p1 $0x0  }
0x14: {  	s2 =	sld [smem:$0x3F93];
	s0 =	simm.s32 @p1 $0x1  }
0x15: {  	[smem:$0x3FB0] =	sst s0;
	s0 =	simm.s32 @!p2 $0x0  }
0x16: {  	s3 =	sld [smem:$0x3FDB];
	s0 =	simm.s32 @p2 $0x1  }
0x17: {  	s4 =	simm.s32 $0x1BF5;
	[smem:$0x3FB2] =	sst s0  }
0x18: {  	s0 =	sld [smem:$0x3F95];
	_ =	swait.ge [sflag:s4], $0x0  }
0x19: {  	s7 =	sld [smem:$0x3F96]  }
0x1a: {  	s8 =	sadd.s32 $0xFFFFE003, lr  }
0x1b: {  	s9 =	sadd.s32 $0xFFFFFEF7, lr;
	s5 =	simm.s32 $0xFFFFFFFF;
	p2 =	slt.u32 s8, $0xFFFFF086  }
0x1c: {  	p1 =	slt.u32 s9, $0xF7A;
	s5 =	simm.s32 @!p2 $0x0  }
0x1d: {  	s5 =	simm.s32 @p1 $0x1;
	p0 =	seq.s32 s7, s2  }
0x1e: {  	s7 =	smul.u32 @!p0 $0xF7A, s2;
	p2 =	seq.s32 @!p0 s5, $0x0  }
0x1f: {  	s9 =	smul.u32 $0xF7A, s1;
	s8 =	simm.s32 @!p0 $0x1BF5;
	p2 =	por !p2, p0  }
0x20: {  	[sflag:s8] =	ssyncset.s32 @!p0 $0xFFFFF086;
	s6 =	sadd.s32 @!p0 s3, s7;
	s7 =	simm.s32 @!p0 $0x108  }
0x21: {  	s3 =	sadd.s32 s3, s9;
	s6 =	sadd.s32 @!p0 $0x88, s6;
	s7 =	simm.s32 @p2 $0x1082  }
0x22: {  	[simem:s7], [sflag:s8] =	dma.local @!p0 [hbm:s6], $0xF7A  }
0x23: {  	s9 =	sor.u32 $0xD0000000, s2;
	s6 =	simm.s32 $0x108;
	_ =	swait.ge @!p0 [sflag:s8], $0x0  }
0x24: {  	s3 =	sadd.s32 $0x88, s3;
	s6 =	simm.s32 @!p1 $0x1082;
	[sflag:s4] =	ssyncset.s32 $0xFFFFF086  }
0x25: {  	[simem:s6], [sflag:s4] =	dma.local [hbm:s3], $0xF7A  }
0x26: {  	[smem:$0x3F96] =	sst s1;
	(tag) =	ssettag s2;
	_ =	strace s9  }
0x27: {  	s1 =	sld [smem:$0x3FA6]  }
0x28: {  	s2 =	sld [smem:$0x3FA7]  }
0x29: {  	s4 =	sld [smem:$0x3FA9]  }
0x2a: {  	p0 =	seq.s32 s5, $0x0;
	s5 =	sld [smem:$0x3FAA]  }
0x2b: {  	s6 =	sld [smem:$0x3FAB]  }
0x2c: {  	s7 =	sld [smem:$0x3FAC]  }
0x2d: {  	s3 =	simm.s32 $0x108;
	s8 =	sld [smem:$0x3FAD]  }
0x2e: {  	s3 =	simm.s32 @!p0 $0x1082;
	s9 =	sld [smem:$0x3FAE]  }
0x2f: {  	lr =	sadd.s32 s0, s3;
	s0 =	sld [smem:$0x3FA5]  }
0x30: {  	s3 =	sld [smem:$0x3FA8]  }
0x31: {  	[smem:$0x3FB1] =	sst s10  }
0x32: {  	s10 =	sld [smem:$0x3FAF];
	_ =	sdelay $0x3  }
0x33: {  	p0 =	seq.s32 s10, $0x1;
	s10 =	sld [smem:$0x3FB1];
	_ =	sdelay $0x3  }
0x34: {  	[smem:$0x3FB1] =	sst s10  }
0x35: {  	s10 =	sld [smem:$0x3FB0];
	_ =	sdelay $0x3  }
0x36: {  	p1 =	seq.s32 s10, $0x1;
	s10 =	sld [smem:$0x3FB1];
	_ =	sdelay $0x3  }
0x37: {  	[smem:$0x3FB1] =	sst s10  }
0x38: {  	s10 =	sld [smem:$0x3FB2]  }
0x39: {  	_ = 	snop;
	(pc) =	sbr.ind lr, $3  }
0x3a: {  	_ = 	snop  }
0x3b: {  	_ = 	snop  }
0x3c: {  	p2 =	seq.s32 s10, $0x1;
	s10 =	sld [smem:$0x3FB1]  }
0x3d: {  	_ =	shalt  }
0x3e: {  	_ =	shalt  }
0x3f: {  	_ =	shalt  }
0x40: {  	_ =	shalt  }
0x41: {  	_ =	shalt  }
0x42: {  	_ =	shalt  }
0x43: {  	_ =	shalt  }
0x44: {  	_ =	shalt  }
0x45: {  	_ =	shalt  }
0x46: {  	_ =	shalt  }
0x47: {  	_ =	shalt  }
0x48: {  	_ =	shalt  }
0x49: {  	_ =	shalt  }
0x4a: {  	_ =	shalt  }
0x4b: {  	_ =	shalt  }
0x4c: {  	_ =	shalt  }
0x4d: {  	_ =	shalt  }
0x4e: {  	_ =	shalt  }
0x4f: {  	_ =	shalt  }
0x50: {  	_ =	shalt  }
0x51: {  	_ =	shalt  }
0x52: {  	_ =	shalt  }
0x53: {  	_ =	shalt  }
0x54: {  	_ =	shalt  }
0x55: {  	_ =	shalt  }
0x56: {  	_ =	shalt  }
0x57: {  	_ =	shalt  }
0x58: {  	_ =	shalt  }
0x59: {  	_ =	shalt  }
0x5a: {  	_ =	shalt  }
0x5b: {  	_ =	shalt  }
0x5c: {  	_ =	shalt  }
0x5d: {  	_ =	shalt  }
0x5e: {  	_ =	shalt  }
0x5f: {  	_ =	shalt  }
0x60: {  	_ =	shalt  }
0x61: {  	_ =	shalt  }
0x62: {  	_ =	shalt  }
0x63: {  	_ =	shalt  }
0x64: {  	_ =	shalt  }
0x65: {  	_ =	shalt  }
0x66: {  	_ =	shalt  }
0x67: {  	_ =	shalt  }
0x68: {  	_ =	shalt  }
0x69: {  	_ =	shalt  }
0x6a: {  	_ =	shalt  }
0x6b: {  	_ =	shalt  }
0x6c: {  	_ =	shalt  }
0x6d: {  	_ =	shalt  }
0x6e: {  	_ =	shalt  }
0x6f: {  	_ =	shalt  }
0x70: {  	_ =	shalt  }
0x71: {  	_ =	shalt  }
0x72: {  	_ =	shalt  }
0x73: {  	_ =	shalt  }
0x74: {  	_ =	shalt  }
0x75: {  	_ =	shalt  }
0x76: {  	_ =	shalt  }
0x77: {  	_ =	shalt  }
0x78: {  	_ =	shalt  }
0x79: {  	_ =	shalt  }
0x7a: {  	_ =	shalt  }
0x7b: {  	_ =	shalt  }
0x7c: {  	_ =	shalt  }
0x7d: {  	_ =	shalt  }
0x7e: {  	_ =	shalt  }
0x7f: {  	_ =	shalt  }
0x80: {  	_ =	shalt  }
0x81: {  	_ =	shalt  }
0x82: {  	_ =	shalt  }
0x83: {  	_ =	shalt  }
0x84: {  	_ =	shalt  }
0x85: {  	_ =	shalt  }
0x86: {  	_ =	shalt  }
0x87: {  	_ =	shalt  }
.Lfunc_end0:
.L_simem_size_0:
called_computation.2_lowered:
.L_overlay_start_0:
0x88: {  	s2 =	sld [smem:$0x3FD9]  }
0x89: {  	s3 =	sld [smem:$0x3FFE];
	_ =	sdelay $0x1  }
0x8a: {  	s1 =	srdreg.scid  }
0x8b: {  	s0 =	sand.u32 $0x1, s1  }
0x8c: {  	s17 =	sshll.u32 s0, $0xA;
	s2 =	sadd.s32 s3, s2  }
0x8d: {  	s2 =	sadd.s32 s2, s17  }
0x8e: {  	[smem:$0x3FBD] =	sst s2  }
0x8f: {  	_ = 	snop  }
0x90: {  	s2 =	sld [smem:$0x3FC7]  }
0x91: {  	s18 =	sld [smem:$0x3FD0];
	(tm) =	ssettm $0x1  }
0x92: {  	s4 =	sld [smem:$0x3FFB];
	_ =	sdelay $0x3  }
0x93: {  	_ =	strace s4  }
0x94: {  	s4 =	sld [smem:$0x3FFC];
	_ =	sdelay $0x3  }
0x95: {  	_ =	strace s4  }
0x96: {  	s4 =	sld [smem:$0x3FFD];
	_ =	sdelay $0x3  }
0x97: {  	_ =	strace s4  }
0x98: {  	_ =	strace $0x8FFFFFFF  }
0x99: {  	s19 =	sld [smem:$0x3FDB];
	_ =	sdelay $0x1  }
0x9a: {  	s5 =	simm.s32 $_scs_section_size  }
0x9b: {  	s6 =	simm.s32 $_size__tile_overlayer_lowered;
	s7 =	simm.s32 $_tile_overlayer_lowered  }
0x9c: {  	s22 =	simm.s32 $0x1BFF;
	s21 =	sshll.u32 s7, $0x1;
	s4 =	sadd.s32 s5, s19  }
0x9d: {  	s8 =	simm.s32 $0x0;
	s20 =	sshll.u32 s6, $0x1;
	s6 =	sadd.s32 s21, s4  }
0x9e: {  	[timem:s8], [sflag:s22] =	dma.local [hbm:s6], s20  }
0x9f: {  	_ =	swait.ge [sflag:s22], s20  }
0xa0: {  	s5 =	ssub.s32 $0x0, s20;
	[sflag:s22] =	ssyncset.done $0x0  }
0xa1: {  	[sflag:s22] =	ssyncadd.s32 s5;
	_ =	sdelay $0x1  }
0xa2: {  	s23 =	simm.s32 $0x1B8B  }
0xa3: {  	_ =	swait.ge [sflag:s23], $0x1  }
0xa4: {  	[sflag:s23] =	ssyncset.done $0x0  }
0xa5: {  	s25 =	simm.s32 $0x1B8E;
	s24 =	sld [smem:$0x3FFE];
	[sflag:s23] =	ssyncadd.s32 $0xFFFFFFFF  }
0xa6: {  	s26 =	simm.s32 $execute0_lowered;
	[smem:$0x3FD2] =	sst s25  }
0xa7: {  	s6 =	sshll.u32 s26, $0x1;
	_ =	strace $0x8000004C;
	[dreg:$0x1] =	wrdreg $0xFFFFFFFF  }
0xa8: {  	s28 =	simm.s32 $_size_execute0_lowered;
	s4 =	sadd.s32 s4, s6;
	[dreg:$0x0] =	wrdreg $0x0  }
0xa9: {  	s6 =	sshll.u32 s28, $0x1;
	[dreg:$0x2] =	wrdreg s4  }
0xaa: {  	[dreg:$0x3] =	wrdreg s6  }
0xab: {  	[dreg:$0x4] =	wrdreg $0xC0  }
0xac: {  	_ =	task [dreg:s8], $0x5FFFF  }
0xad: {  	[dreg:$0x1] =	wrdreg $0xFFFFFFFF  }
0xae: {  	[dreg:$0x0] =	wrdreg $0x60  }
0xaf: {  	[dreg:$0x2] =	wrdreg s24  }
0xb0: {  	[dreg:$0x3] =	wrdreg s18  }
0xb1: {  	[dreg:$0x4] =	wrdreg s2  }
0xb2: {  	[dreg:$0x5] =	wrdreg $0xB7C00  }
0xb3: {  	[dreg:$0x6] =	wrdreg $0x9  }
0xb4: {  	_ =	task.clear_ibuf [dreg:s8], $0x7FFFF;
	_ =	strace $0x9000004C  }
0xb5: {  	s29 =	simm.s32 $0x9;
	_ =	strace $0x8000004E  }
0xb6: {  	_ =	swait.ge [sflag:s29], $0x1  }
0xb7: {  	[sflag:s29] =	ssyncadd.s32 $0xFFFFFFFF  }
0xb8: {  	_ =	strace $0x9000004E  }
0xb9: {  	_ =	sfence  }
0xba: {  	s30 =	sld [smem:$0x0];
	_ =	sdelay $0x2  }
0xbb: {  	s31 =	sshll.u32 s1, $0xD;
	s1 =	sshrl.u32 s1, $0x2  }
0xbc: {  	s3 =	sand.u32 $0x4000, s31;
	s1 =	sadd.s32 s1, s30  }
0xbd: {  	s0 =	sor.u32 s3, s0;
	s1 =	sshll.u32 s1, $0x11  }
0xbe: {  	s0 =	sor.u32 s1, s0  }
0xbf: {  	s0 =	sadd.s32 $0x8F2B, s0  }
0xc0: {  	[sflag:s0] =	ssyncadd.remote.s32 $0x1  }
0xc1: {  	_ =	sfence.sel $0xFFFF  }
0xc2: {  	[dreg:$0x0] =	wrdreg $0xFFFFFFFF;
	(pc) =	sbr.abs _section_cstart, $3  }
0xc3: {  	[dreg:$0x1] =	wrdreg $0xFFFFFFFF  }
0xc4: {  	_ =	task.clear_ibuf [dreg:s8], $0x2FFFF;
	_ =	strace $0x9FFFFFFF  }
0xc5: {  	(tm) =	ssettm $0x7FFFFFFF  }
tec
execute0_lowered:
.L_overlay_start_1:
0x0: {  	(tag) =	ssettag $0x1  }
0x1: {  	s6 =	rddreg [dreg:$0x0]  }
0x2: {  	s0 =	srdreg.scid;
	s1 =	rddreg [dreg:$0x1]  }
0x3: {  	s22 =	stileid.u32;
	s2 =	rddreg [dreg:$0x2]  }
0x4: {  	s3 =	simm.s32 $0x0;
	s4 =	sand.u32 $0x1, s0;
	s19 =	smul.u32 $0x280, s22  }
0x5: {  	[smem:$0x7FF] =	sst s3;
	s12 =	sadd.s32 $0xAB200, s6;
	s7 =	smul.u32 $0x222E0, s4  }
0x6: {  	s30 =	sadd.s32 $0xA0E00, s6;
	s8 =	smul.u32 $0x514, s4;
	s5 =	ssub.s32 $0x2, s4  }
0x7: {  	s11 =	smul.u32 $0x111700, s4;
	s9 =	smin.u32 s19, $0x2490;
	s10 =	sshrl.u32 s5, $0x1  }
0x8: {  	s0 =	smul.u32 $0x70, s9;
	s10 =	ssub.s32 s5, s10;
	s8 =	sadd.s32 s8, s6  }
0x9: {  	s7 =	sadd.s32 s7, s6;
	s9 =	smul.u32 $0x1C0, s9;
	s31 =	sadd.s32 $0x96600, s8  }
0xa: {  	s8 =	sadd.s32 $0x95A00, s8;
	s4 =	sadd.s32 $0x2300, s0;
	s13 =	sadd.s32 s11, s0  }
0xb: {  	s5 =	sadd.s32 $0x4600, s0;
	s16 =	sadd.s32 $0x8C00, s0;
	s18 =	sadd.s32 $0xAF00, s0  }
0xc: {  	s19 =	sadd.s32 $0xD200, s0;
	s14 =	sadd.s32 s11, s4;
	s13 =	sshrl.u32 s13, $0x3  }
0xd: {  	s15 =	sadd.s32 s11, s5;
	s24 =	sadd.s32 s11, s16;
	s17 =	sadd.s32 s11, s18  }
0xe: {  	s28 =	sadd.s32 s11, s19;
	s14 =	sshrl.u32 s14, $0x3;
	s13 =	sadd.s32 s12, s13  }
0xf: {  	s21 =	sshrl.u32 s15, $0x3;
	s15 =	sshrl.u32 s24, $0x3;
	s26 =	sshrl.u32 s17, $0x3  }
0x10: {  	s17 =	sadd.s32 $0x95400, s6;
	[dreg:$0x5] =	wrdreg s13;
	s20 =	sadd.s32 s12, s14  }
0x11: {  	s24 =	smax.u32 s10, $0x1;
	s13 =	sadd.s32 s12, s21;
	[dreg:$0x6] =	wrdreg s20  }
0x12: {  	s25 =	sadd.s32 s12, s15;
	s21 =	sadd.s32 $0xF500, s0;
	[dreg:$0x7] =	wrdreg s13  }
0x13: {  	s13 =	sadd.s32 $0x6900, s0;
	[dreg:$0x9] =	wrdreg s25;
	s29 =	sadd.s32 s11, s21  }
0x14: {  	s20 =	sadd.s32 $0x50E00, s7;
	s23 =	sadd.s32 s11, s13;
	s11 =	rddreg [dreg:$0x3]  }
0x15: {  	s15 =	sshrl.u32 s29, $0x3;
	s29 =	sadd.s32 $0x23000, s9;
	s14 =	sshrl.u32 s23, $0x3  }
0x16: {  	s23 =	sadd.s32 $0x8C00, s9;
	s0 =	sadd.s32 s0, s11;
	s14 =	sadd.s32 s12, s14  }
0x17: {  	s4 =	sadd.s32 s4, s11;
	[dreg:$0x8] =	wrdreg s14;
	s14 =	sadd.s32 s12, s26  }
0x18: {  	s5 =	sadd.s32 s5, s11;
	[dreg:$0xa] =	wrdreg s14;
	s14 =	sshrl.u32 s28, $0x3  }
0x19: {  	s25 =	sshrl.u32 s23, $0x2;
	s23 =	sadd.s32 s13, s11;
	s14 =	sadd.s32 s12, s14  }
0x1a: {  	s0 =	sshrl.u32 s0, $0x3;
	s12 =	sadd.s32 s12, s15;
	[dreg:$0xb] =	wrdreg s14  }
0x1b: {  	s13 =	simm.s32 $0x28A0;
	s26 =	sadd.s32 $0x11800, s9;
	[dreg:$0xc] =	wrdreg s12  }
0x1c: {  	s28 =	sadd.s32 $0x1A400, s9;
	_ =	strace $0x8000004D;
	[dreg:$0xd] =	wrdreg s30  }
0x1d: {  	s15 =	sadd.s32 $0xA1200, s6;
	s7 =	sshrl.u32 s28, $0x2;
	[dreg:$0xe] =	wrdreg s31  }
0x1e: {  	s28 =	sadd.s32 s21, s11;
	s21 =	simm.s32 $0x70D0;
	[dreg:$0xf] =	wrdreg s8  }
0x1f: {  	s14 =	sadd.s32 $0xA6200, s6;
	s12 =	sshrl.u32 s9, $0x2;
	[dreg:$0x10] =	wrdreg s24  }
0x20: {  	s6 =	sadd.s32 s12, s11;
	s30 =	sadd.s32 s7, s11;
	s31 =	sshrl.u32 s29, $0x2  }
0x21: {  	s7 =	sadd.s32 $0x2BC00, s9;
	s8 =	sadd.s32 $0x34800, s9;
	s9 =	sadd.s32 $0x3D400, s9  }
0x22: {  	s24 =	sadd.s32 s16, s11;
	[dreg:$0x19] =	wrdreg s0;
	s29 =	sshrl.u32 s4, $0x3  }
0x23: {  	s16 =	simm.s32 $0x71C0;
	[dreg:$0x11] =	wrdreg s6;
	s6 =	sadd.s32 s25, s11  }
0x24: {  	[dreg:$0x14] =	wrdreg s30;
	s12 =	sshrl.u32 s9, $0x2;
	s25 =	sadd.s32 s18, s11  }
0x25: {  	[dreg:$0x1a] =	wrdreg s29;
	s30 =	sshrl.u32 s5, $0x3;
	s5 =	sshrl.u32 s24, $0x3  }
0x26: {  	s9 =	smul.u32 $0x7D, s22;
	s18 =	simm.s32 $0x94C0;
	s22 =	simm.s32 $0x7120  }
0x27: {  	s24 =	simm.s32 $0x1;
	[dreg:$0x12] =	wrdreg s6;
	s6 =	sshrl.u32 s26, $0x2  }
0x28: {  	s26 =	sadd.s32 s19, s11;
	[dreg:$0x1b] =	wrdreg s30;
	s6 =	sadd.s32 s6, s11  }
0x29: {  	s19 =	simm.s32 $0x7080;
	[dreg:$0x13] =	wrdreg s6;
	s6 =	sadd.s32 s31, s11  }
0x2a: {  	s31 =	sshrl.u32 s23, $0x3;
	s23 =	simm.s32 $0x7170;
	[dreg:$0x15] =	wrdreg s6  }
0x2b: {  	s6 =	sshrl.u32 s7, $0x2;
	s7 =	sshrl.u32 s8, $0x2;
	[dreg:$0x1c] =	wrdreg s31  }
0x2c: {  	s8 =	sshrl.u32 s28, $0x3;
	s6 =	sadd.s32 s6, s11;
	s10 =	sadd.s32 s7, s11  }
0x2d: {  	s7 =	sshrl.u32 s26, $0x3;
	s26 =	simm.s32 $0x0;
	[dreg:$0x16] =	wrdreg s6  }
0x2e: {  	[dreg:$0x17] =	wrdreg s10;
	s6 =	sadd.s32 s12, s11;
	s12 =	simm.s32 $0x2  }
0x2f: {  	v0 =	vlaneseq.u32;
	[dreg:$0x18] =	wrdreg s6;
	s6 =	sshrl.u32 s25, $0x3;
	s25 =	simm.s32 $0x50  }
.LBB2_1:
0x30: {  	s0 =	rddreg [dreg:$0xe]  }
0x31: {  	[tilespmem:s3], [sflag:$0x2] =	stream.linear.gather [hbm4b:s0+s3], $0x28A0, $0x38;
	[tilespmem:$0x1C930] =	vst v63  }
0x32: {  	_ =	swait.ge [sflag:s12], $0x28A0  }
0x33: {  	[sflag:s12] =	ssyncset.done $0x0  }
0x34: {  	s4 =	rddreg [dreg:$0xf];
	[sflag:s12] =	ssyncadd.s32 $0xFFFFD760  }
0x35: {  	[tilespmem:s13], [sflag:$0x2] =	stream.linear.gather [hbm4b:s4+s3], $0x28A0, $0x38;
	[tilespmem:$0x1C930] =	vst v63  }
0x36: {  	_ =	swait.ge [sflag:s12], $0x28A0  }
0x37: {  	[sflag:s12] =	ssyncset.done $0x0  }
0x38: {  	s4 =	simm.s32 $0x5140;
	s10 =	rddreg [dreg:$0xd];
	[sflag:s12] =	ssyncadd.s32 $0xFFFFD760  }
0x39: {  	[tilespmem:s4], [sflag:$0x2] =	stream.linear.gather [hbm4b:s10+s3], $0x1F40, $0x38;
	[tilespmem:$0x1C930] =	vst v63  }
0x3a: {  	_ =	swait.ge [sflag:s12], $0x1F40  }
0x3b: {  	[sflag:s12] =	ssyncset.done $0x0  }
0x3c: {  	[sflag:s12] =	ssyncadd.s32 $0xFFFFE0C0  }
0x3d: {  	[tilespmem:s16], [sflag:$0x2] =	stream.linear.gather [hbm4b:s17+s3], $0x2300, $0x38;
	[tilespmem:$0x1C930] =	vst v63  }
0x3e: {  	_ =	swait.ge [sflag:s12], $0x2300  }
0x3f: {  	[sflag:s12] =	ssyncset.done $0x0  }
0x40: {  	[sflag:s12] =	ssyncadd.s32 $0xFFFFDD00  }
0x41: {  	[tilespmem:s18], [sflag:$0x2] =	stream.linear.gather [hbm4b:s17+s3], $0x2300, $0x38;
	[tilespmem:$0x1C930] =	vst v63  }
0x42: {  	_ =	swait.ge [sflag:s12], $0x2300  }
0x43: {  	[sflag:s12] =	ssyncset.done $0x0  }
0x44: {  	s29 =	rddreg [dreg:$0x11];
	[sflag:s12] =	ssyncadd.s32 $0xFFFFDD00  }
0x45: {  	[spmem:s29] =	stream.linear.scatter [tilespmem:s16], [sflag:$0x2], $0x2300, $0x38;
	[tilespmem:$0x1C930] =	vst v63  }
0x46: {  	_ =	swait.ge [sflag:s12], $0x2300  }
0x47: {  	[sflag:s12] =	ssyncset.done $0x0  }
0x48: {  	s30 =	rddreg [dreg:$0x12];
	[sflag:s12] =	ssyncadd.s32 $0xFFFFDD00  }
0x49: {  	[spmem:s30] =	stream.linear.scatter [tilespmem:s16], [sflag:$0x2], $0x2300, $0x38;
	[tilespmem:$0x1C930] =	vst v63  }
0x4a: {  	_ =	swait.ge [sflag:s12], $0x2300  }
0x4b: {  	[sflag:s12] =	ssyncset.done $0x0  }
0x4c: {  	s31 =	rddreg [dreg:$0x13];
	[sflag:s12] =	ssyncadd.s32 $0xFFFFDD00  }
0x4d: {  	[spmem:s31] =	stream.linear.scatter [tilespmem:s16], [sflag:$0x2], $0x2300, $0x38;
	[tilespmem:$0x1C930] =	vst v63  }
0x4e: {  	_ =	swait.ge [sflag:s12], $0x2300  }
0x4f: {  	[sflag:s12] =	ssyncset.done $0x0  }
0x50: {  	s4 =	rddreg [dreg:$0x14];
	[sflag:s12] =	ssyncadd.s32 $0xFFFFDD00  }
0x51: {  	[spmem:s4] =	stream.linear.scatter [tilespmem:s16], [sflag:$0x2], $0x2300, $0x38;
	[tilespmem:$0x1C930] =	vst v63  }
0x52: {  	_ =	swait.ge [sflag:s12], $0x2300  }
0x53: {  	[sflag:s12] =	ssyncset.done $0x0  }
0x54: {  	s10 =	rddreg [dreg:$0x15];
	[sflag:s12] =	ssyncadd.s32 $0xFFFFDD00  }
0x55: {  	[spmem:s10] =	stream.linear.scatter [tilespmem:s16], [sflag:$0x2], $0x2300, $0x38;
	[tilespmem:$0x1C930] =	vst v63  }
0x56: {  	_ =	swait.ge [sflag:s12], $0x2300  }
0x57: {  	[sflag:s12] =	ssyncset.done $0x0  }
0x58: {  	s29 =	rddreg [dreg:$0x16];
	[sflag:s12] =	ssyncadd.s32 $0xFFFFDD00  }
0x59: {  	[spmem:s29] =	stream.linear.scatter [tilespmem:s16], [sflag:$0x2], $0x2300, $0x38;
	[tilespmem:$0x1C930] =	vst v63  }
0x5a: {  	_ =	swait.ge [sflag:s12], $0x2300  }
0x5b: {  	[sflag:s12] =	ssyncset.done $0x0  }
0x5c: {  	s30 =	rddreg [dreg:$0x17];
	[sflag:s12] =	ssyncadd.s32 $0xFFFFDD00  }
0x5d: {  	[spmem:s30] =	stream.linear.scatter [tilespmem:s16], [sflag:$0x2], $0x2300, $0x38;
	[tilespmem:$0x1C930] =	vst v63  }
0x5e: {  	_ =	swait.ge [sflag:s12], $0x2300  }
0x5f: {  	[sflag:s12] =	ssyncset.done $0x0  }
0x60: {  	s31 =	rddreg [dreg:$0x18];
	[sflag:s12] =	ssyncadd.s32 $0xFFFFDD00  }
0x61: {  	[spmem:s31] =	stream.linear.scatter [tilespmem:s16], [sflag:$0x2], $0x2300, $0x38;
	[tilespmem:$0x1C930] =	vst v63  }
0x62: {  	_ =	swait.ge [sflag:s12], $0x2300  }
0x63: {  	[sflag:s12] =	ssyncset.done $0x0  }
0x64: {  	[sflag:s12] =	ssyncadd.s32 $0xFFFFDD00  }
0x65: {  	s28 =	simm.s32 $0x0;
	[bflag:$0x0] =	sbarrier.arrive $0xFFFF  }
.LBB2_2:
0x66: {  	s29 =	sadd.s32 s9, s28  }
0x67: {  	s29 =	smul.u32 $0xA, s29;
	_ =	sdelay $0x1  }
0x68: {  	s30 =	sadd.s32 s14, s29  }
0x69: {  	[tilespmem:s19], [sflag:$0x1] =	stream.linear.gather [hbm4b:s30+s3], $0x50, $0x38;
	[tilespmem:$0x1C930] =	vst v63  }
0x6a: {  	s30 =	sadd.s32 s1, s29  }
0x6b: {  	[tilespmem:s21], [sflag:$0x1] =	stream.linear.gather [hbm4b:s30+s3], $0x50, $0x38;
	[tilespmem:$0x1C930] =	vst v63  }
0x6c: {  	s30 =	sadd.s32 s2, s29  }
0x6d: {  	[tilespmem:s22], [sflag:$0x1] =	stream.linear.gather [hbm4b:s30+s3], $0x50, $0x38;
	[tilespmem:$0x1C930] =	vst v63  }
0x6e: {  	s29 =	sadd.s32 s15, s29  }
0x6f: {  	[tilespmem:s23], [sflag:$0x1] =	stream.linear.gather [hbm4b:s29+s3], $0x50, $0x38;
	[tilespmem:$0x1C930] =	vst v63  }
0x70: {  	_ =	swait.ge [sflag:s24], $0x50  }
0x71: {  	[sflag:s24] =	ssyncset.done $0x0  }
0x72: {  	[sflag:s24] =	ssyncadd.s32 $0xFFFFFFB0  }
0x73: {  	_ =	swait.ge [sflag:s24], $0x50  }
0x74: {  	[sflag:s24] =	ssyncset.done $0x0  }
0x75: {  	[sflag:s24] =	ssyncadd.s32 $0xFFFFFFB0  }
0x76: {  	_ =	swait.ge [sflag:s24], $0x50  }
0x77: {  	[sflag:s24] =	ssyncset.done $0x0  }
0x78: {  	[sflag:s24] =	ssyncadd.s32 $0xFFFFFFB0  }
0x79: {  	_ =	swait.ge [sflag:s24], $0x50  }
0x7a: {  	[sflag:s24] =	ssyncset.done $0x0  }
0x7b: {  	[sflag:s24] =	ssyncadd.s32 $0xFFFFFFB0  }
0x7c: {  	[tilespmem:s16], [sflag:$0x1] =	stream.indirect.gather [hbm4b:s20+s25], $0x70, s19, s25, $0xb8;
	[tilespmem:$0x1C930] =	vst v63  }
0x7d: {  	_ =	swait.ge [sflag:s24], $0x2300  }
0x7e: {  	[sflag:s24] =	ssyncset.done $0x0  }
0x7f: {  	s29 =	simm.s32 $0x5160;
	[sflag:s24] =	ssyncadd.s32 $0xFFFFDD00  }
0x80: {  	v4 =	vld [tilespmem:s29+$0x10];
	_ =	sdelay $0x4  }
0x81: {  	v6 =	vld [tilespmem:s29+$0xFFFFFFF0]  }
0x82: {  	v7 =	vld [tilespmem:s29+$0x0];
	v2 =	vmul.u32 $0xFFFFFF9C, v4  }
0x83: {  	s30 =	simm.s32 $0x30;
	v5 =	vld [tilespmem:s29+$0xFFFFFFE0]  }
0x84: {  	v2 =	vadd.s32 s30, v2;
	v1 =	vld.idx.msk [tilespmem:v4+s22+$0x0], $0xffff  }
0x85: {  	v3 =	vmul.u32 $0x70, v4;
	v2 =	vadd.s32 v0, v2  }
0x86: {  	v9 =	vand.u32 $0xFFFFFFF8, v2  }
0x87: {  	v2 =	vand.u32 $0x7, v2;
	v3 =	vadd.s32 v3, v9  }
0x88: {  	v8 =	vor.u32 v2, v3  }
0x89: {  	v10 =	vld.idx.msk [tilespmem:v6+s22+$0x0], $0xffff;
	v3 =	vxor.u32 $0x1, v8;
	v1 =	vmul.u32 $0x68, v1  }
0x8a: {  	v11 =	vld.idx.msk [tilespmem:v7+s22+$0x0], $0xffff  }
0x8b: {  	v20 =	vld.idx.msk [tilespmem:v4+s23+$0x0], $0xffff;
	v1 =	vadd.s32 v1, v9  }
0x8c: {  	v9 =	vld.idx.msk [tilespmem:v5+s22+$0x0], $0xffff;
	v1 =	vor.u32 v2, v1;
	v2 =	vmul.u32 $0xFFFFFF9C, v5  }
0x8d: {  	s29 =	simm.s32 $0x0;
	v12 =	vld.idx.msk [tilespmem:v8+s16+$0x0], $0xffff  }
0x8e: {  	v13 =	vld.idx.msk [tilespmem:v3+s16+$0x0], $0xffff;
	v2 =	vadd.s32 s29, v2  }
0x8f: {  	s29 =	simm.s32 $0x51A0;
	v16 =	vadd.s32 v0, v2;
	v2 =	vld.idx.msk [tilespmem:v6+s23+$0x0], $0xffff  }
0x90: {  	v3 =	vmul.u32 $0xFFFFFF9C, v6;
	v21 =	vld [tilespmem:s29+$0xFFFFFFE0]  }
0x91: {  	s30 =	simm.s32 $0x10;
	v4 =	vmul.u32 $0xFFFFFF9C, v7;
	v10 =	vmul.u32 $0x68, v10;
	v26 =	vld [tilespmem:s29+$0xFFFFFFF0]  }
0x92: {  	v11 =	vmul.u32 $0x68, v11;
	v3 =	vadd.s32 s30, v3;
	v24 =	vld [tilespmem:s29+$0x10];
	v9 =	vmul.u32 $0x68, v9  }
0x93: {  	s30 =	simm.s32 $0x20;
	v6 =	vmul.u32 $0x70, v6;
	v17 =	vadd.s32 v0, v3;
	v18 =	vand.u32 $0xFFFFFFF8, v16;
	v14 =	vld.idx.msk [tilespmem:v1+s3+$0x0], $0xffff  }
0x94: {  	v16 =	vand.u32 $0x7, v16;
	v4 =	vadd.s32 s30, v4;
	v15 =	vld.idx.msk [tilespmem:v1+s13+$0x0], $0xffff;
	v9 =	vadd.s32 v9, v18  }
0x95: {  	v1 =	vld.idx.msk [tilespmem:v5+s23+$0x0], $0xffff;
	v19 =	vand.u32 $0xFFFFFFF8, v17;
	v5 =	vmul.u32 $0x70, v5;
	v9 =	vor.u32 v16, v9  }
0x96: {  	v3 =	vld.idx.msk [tilespmem:v7+s23+$0x0], $0xffff;
	v7 =	vmul.u32 $0x70, v7;
	v17 =	vand.u32 $0x7, v17;
	v10 =	vadd.s32 v10, v19  }
0x97: {  	v27 =	vld [tilespmem:s29+$0x0];
	v4 =	vadd.s32 v0, v4;
	v10 =	vor.u32 v17, v10;
	v5 =	vadd.s32 v5, v18  }
0x98: {  	v18 =	vadd.s32 v6, v19;
	v19 =	vand.u32 $0xFFFFFFF8, v4;
	v12 =	vmul.f32 v14, v12;
	v14 =	vld.idx.msk [tilespmem:v21+s22+$0x0], $0xffff  }
0x99: {  	v7 =	vadd.s32 v7, v19;
	v6 =	vor.u32 v16, v5;
	v5 =	vadd.s32 v11, v19;
	v19 =	vld.idx.msk [tilespmem:v26+s22+$0x0], $0xffff  }
0x9a: {  	v28 =	vld.idx.msk [tilespmem:v9+s3+$0x0], $0xffff  }
0x9b: {  	v16 =	vmul.u32 $0xFFFFFF9C, v21;
	v29 =	vld.idx.msk [tilespmem:v9+s13+$0x0], $0xffff  }
0x9c: {  	s30 =	simm.s32 $0x40;
	v22 =	vmul.u32 $0xFFFFFF9C, v27;
	v9 =	vand.u32 $0x7, v4;
	v30 =	vld.idx.msk [tilespmem:v10+s3+$0x0], $0xffff;
	v4 =	vor.u32 v17, v18  }
0x9d: {  	v13 =	vmul.f32 v15, v13;
	v16 =	vadd.s32 s30, v16;
	v31 =	vld.idx.msk [tilespmem:v10+s13+$0x0], $0xffff;
	v11 =	vor.u32 v9, v5  }
0x9e: {  	v32 =	vmul.u32 $0x70, v24;
	v15 =	vmul.u32 $0xFFFFFF9C, v24;
	v36 =	vadd.s32 v0, v16;
	v10 =	vld.idx.msk [tilespmem:v24+s22+$0x0], $0xffff  }
0x9f: {  	v23 =	vld.idx.msk [tilespmem:v27+s22+$0x0], $0xffff;
	v12 =	vadd.f32 v13, v12;
	v5 =	vor.u32 v9, v7;
	v7 =	vxor.u32 $0x1, v6  }
0xa0: {  	s29 =	simm.s32 $0x70;
	v17 =	vmul.u32 $0x70, v21;
	v18 =	vmul.u32 $0xFFFFFF9C, v26;
	v9 =	vxor.u32 $0x1, v4;
	v38 =	vld.idx.msk [tilespmem:v6+s16+$0x0], $0xffff  }
0xa1: {  	v15 =	vadd.s32 s29, v15;
	v16 =	vand.u32 $0xFFFFFFF8, v36;
	v36 =	vand.u32 $0x7, v36;
	v39 =	vld.idx.msk [tilespmem:v4+s16+$0x0], $0xffff  }
0xa2: {  	v15 =	vadd.s32 v0, v15;
	v13 =	vxor.u32 $0x1, v5;
	v12 =	vmul.f32 v12, v20;
	v33 =	vld.idx.msk [tilespmem:v11+s3+$0x0], $0xffff  }
0xa3: {  	s31 =	simm.s32 $0x50;
	v20 =	vmul.u32 $0x70, v26;
	v34 =	vand.u32 $0xFFFFFFF8, v15;
	v10 =	vmul.u32 $0x68, v10;
	v35 =	vld.idx.msk [tilespmem:v11+s13+$0x0], $0xffff  }
0xa4: {  	v18 =	vadd.s32 s31, v18;
	v11 =	vand.u32 $0x7, v15;
	v15 =	vadd.s32 v32, v34;
	v62 =	vld.idx.msk [tilespmem:v7+s16+$0x0], $0xffff  }
0xa5: {  	v37 =	vld.idx.msk [tilespmem:v9+s16+$0x0], $0xffff;
	v9 =	vadd.s32 v0, v18;
	v7 =	vor.u32 v11, v15;
	v10 =	vadd.s32 v10, v34  }
0xa6: {  	v40 =	vld.idx.msk [tilespmem:v5+s16+$0x0], $0xffff;
	v18 =	vand.u32 $0xFFFFFFF8, v9;
	v11 =	vor.u32 v11, v10;
	v10 =	vmul.u32 $0x68, v19  }
0xa7: {  	v63 =	vld.idx.msk [tilespmem:v13+s16+$0x0], $0xffff;
	v41 =	vand.u32 $0x7, v9;
	v15 =	vxor.u32 $0x1, v7;
	v20 =	vadd.s32 v20, v18  }
0xa8: {  	v17 =	vadd.s32 v17, v16;
	v9 =	vor.u32 v41, v20;
	v20 =	vld.idx.msk [tilespmem:v26+s23+$0x0], $0xffff;
	v18 =	vadd.s32 v10, v18  }
0xa9: {  	s30 =	simm.s32 $0x60;
	v14 =	vmul.u32 $0x68, v14;
	v10 =	vor.u32 v36, v17;
	v17 =	vor.u32 v41, v18;
	v18 =	vld.idx.msk [tilespmem:v21+s23+$0x0], $0xffff  }
0xaa: {  	v25 =	vmul.u32 $0x70, v27;
	v22 =	vadd.s32 s30, v22;
	v21 =	vld.idx.msk [tilespmem:v27+s23+$0x0], $0xffff  }
0xab: {  	v14 =	vadd.s32 v14, v16;
	v13 =	vadd.s32 v0, v22;
	v22 =	vmul.u32 $0x68, v23;
	v16 =	vld.idx.msk [tilespmem:v7+s16+$0x0], $0xffff  }
0xac: {  	[tilespmem:v8+s18+$0x0] =	vst.idx.msk $0xffff, v12;
	v8 =	vmul.f32 v28, v38;
	v23 =	vand.u32 $0xFFFFFFF8, v13;
	v19 =	vld.idx.msk [tilespmem:v15+s16+$0x0], $0xffff  }
0xad: {  	v42 =	vadd.s32 v25, v23;
	v26 =	vmul.f32 v29, v62;
	v15 =	vadd.s32 v22, v23;
	v23 =	vld.idx.msk [tilespmem:v11+s3+$0x0], $0xffff  }
0xae: {  	v13 =	vand.u32 $0x7, v13;
	v27 =	vmul.f32 v30, v39;
	v28 =	vmul.f32 v31, v37;
	v25 =	vld.idx.msk [tilespmem:v11+s13+$0x0], $0xffff  }
0xaf: {  	v12 =	vor.u32 v13, v42;
	v29 =	vmul.f32 v33, v40;
	v30 =	vmul.f32 v35, v63  }
0xb0: {  	v22 =	vor.u32 v36, v14;
	v14 =	vxor.u32 $0x1, v10;
	v11 =	vxor.u32 $0x1, v9  }
0xb1: {  	s30 =	simm.s32 $0x4;
	v24 =	vld.idx.msk [tilespmem:v24+s23+$0x0], $0xffff;
	s31 =	simm.s32 $0x51E0;
	v26 =	vadd.f32 v26, v8;
	v15 =	vor.u32 v13, v15;
	v13 =	vxor.u32 $0x1, v12  }
.LBB2_3:
0xb2: {  	v8 =	vld [tilespmem:s31+$0x10];
	v27 =	vadd.f32 v28, v27  }
0xb3: {  	s30 =	sadd.s32 $0x4, s30;
	v16 =	vmul.f32 v23, v16;
	v19 =	vmul.f32 v25, v19;
	v28 =	vld [tilespmem:s31+$0xFFFFFFE0];
	v23 =	vadd.f32 v30, v29  }
0xb4: {  	p0 =	slt.u32 s30, $0x1F0;
	v25 =	vmul.f32 v26, v1;
	v1 =	vmov v18;
	v29 =	vld [tilespmem:s31+$0xFFFFFFF0];
	v26 =	vmul.f32 v27, v2  }
0xb5: {  	v16 =	vadd.f32 v19, v16;
	v2 =	vmov v20;
	v27 =	vld [tilespmem:s31+$0x0];
	v18 =	vmul.f32 v23, v3  }
0xb6: {  	v3 =	vmov v21;
	v30 =	vld.idx.msk [tilespmem:v22+s3+$0x0], $0xffff;
	[tilespmem:v6+s18+$0x0] =	vst.idx.msk $0xffff, v25;
	v6 =	vmov v10  }
0xb7: {  	v10 =	vmul.f32 v16, v24;
	v21 =	vld.idx.msk [tilespmem:v22+s13+$0x0], $0xffff;
	[tilespmem:v4+s18+$0x0] =	vst.idx.msk $0xffff, v26;
	v4 =	vmov v9  }
0xb8: {  	v9 =	vmul.u32 $0xFFFFFF9C, v28;
	v16 =	vmul.u32 $0x70, v28;
	v24 =	vld.idx.msk [tilespmem:v17+s3+$0x0], $0xffff;
	[tilespmem:v5+s18+$0x0] =	vst.idx.msk $0xffff, v18;
	v5 =	vmov v12  }
0xb9: {  	v12 =	vmul.u32 $0xFFFFFF9C, v29;
	v18 =	vmul.u32 $0x70, v29;
	v26 =	vld.idx.msk [tilespmem:v17+s13+$0x0], $0xffff;
	[tilespmem:v7+s18+$0x0] =	vst.idx.msk $0xffff, v10  }
0xba: {  	v7 =	vmul.u32 $0xFFFFFF9C, v27;
	v10 =	vmul.u32 $0x70, v27;
	v17 =	vld.idx.msk [tilespmem:v8+s22+$0x0], $0xffff  }
0xbb: {  	v20 =	vmul.u32 $0xFFFFFF9C, v8;
	v19 =	vld.idx.msk [tilespmem:v28+s22+$0x0], $0xffff  }
0xbc: {  	s29 =	sadd.s32 $0x40, s29;
	v22 =	vld.idx.msk [tilespmem:v29+s22+$0x0], $0xffff  }
0xbd: {  	s10 =	sadd.s32 $0xFFFFFFD0, s29;
	s0 =	sadd.s32 $0xFFFFFFE0, s29;
	s4 =	sadd.s32 $0xFFFFFFF0, s29;
	v20 =	vadd.s32 s29, v20;
	v23 =	vld.idx.msk [tilespmem:v27+s22+$0x0], $0xffff  }
0xbe: {  	v25 =	vmul.u32 $0x70, v8;
	v9 =	vadd.s32 s10, v9;
	v20 =	vadd.s32 v0, v20;
	v31 =	vld.idx.msk [tilespmem:v15+s3+$0x0], $0xffff  }
0xbf: {  	v12 =	vadd.s32 s0, v12;
	v33 =	vand.u32 $0xFFFFFFF8, v20;
	v32 =	vadd.s32 s4, v7;
	v34 =	vld.idx.msk [tilespmem:v15+s13+$0x0], $0xffff  }
0xc0: {  	v7 =	vadd.s32 v25, v33;
	v15 =	vand.u32 $0x7, v20;
	v17 =	vmul.u32 $0x68, v17;
	v35 =	vld.idx.msk [tilespmem:v14+s16+$0x0], $0xffff  }
0xc1: {  	v9 =	vadd.s32 v0, v9;
	v12 =	vadd.s32 v0, v12;
	v7 =	vor.u32 v15, v7;
	v36 =	vld.idx.msk [tilespmem:v11+s16+$0x0], $0xffff  }
0xc2: {  	v11 =	vadd.s32 v0, v32;
	v14 =	vxor.u32 $0x1, v7;
	v17 =	vadd.s32 v17, v33;
	v32 =	vld.idx.msk [tilespmem:v13+s16+$0x0], $0xffff  }
0xc3: {  	v13 =	vmul.u32 $0x68, v19;
	v19 =	vmul.u32 $0x68, v22;
	v15 =	vor.u32 v15, v17;
	v33 =	vld.idx.msk [tilespmem:v6+s16+$0x0], $0xffff  }
0xc4: {  	v20 =	vand.u32 $0xFFFFFFF8, v12;
	v17 =	vand.u32 $0xFFFFFFF8, v9;
	v22 =	vmul.u32 $0x68, v23;
	v37 =	vld.idx.msk [tilespmem:v4+s16+$0x0], $0xffff  }
0xc5: {  	v18 =	vadd.s32 v18, v20;
	v25 =	vand.u32 $0xFFFFFFF8, v11;
	v23 =	vadd.s32 v16, v17;
	v38 =	vld.idx.msk [tilespmem:v5+s16+$0x0], $0xffff  }
0xc6: {  	v39 =	vand.u32 $0x7, v9;
	v12 =	vand.u32 $0x7, v12;
	v40 =	vadd.s32 v10, v25;
	v16 =	vld.idx.msk [tilespmem:v7+s16+$0x0], $0xffff  }
0xc7: {  	v13 =	vadd.s32 v13, v17;
	v17 =	vadd.s32 v19, v20;
	v20 =	vand.u32 $0x7, v11;
	v19 =	vld.idx.msk [tilespmem:v14+s16+$0x0], $0xffff  }
0xc8: {  	v9 =	vor.u32 v12, v18;
	v10 =	vor.u32 v39, v23;
	v41 =	vadd.s32 v22, v25;
	v23 =	vld.idx.msk [tilespmem:v15+s3+$0x0], $0xffff  }
.Ltmp0:
0xc9: {  	v22 =	vor.u32 v39, v13;
	v17 =	vor.u32 v12, v17;
	v12 =	vor.u32 v20, v40;
	v25 =	vld.idx.msk [tilespmem:v15+s13+$0x0], $0xffff;
	(pc) =	sbr.rel @p0 .LBB2_3-.Ltmp0, $4  }
0xca: {  	v11 =	vxor.u32 $0x1, v9;
	v14 =	vxor.u32 $0x1, v10;
	v15 =	vor.u32 v20, v41;
	v18 =	vld.idx.msk [tilespmem:v28+s23+$0x0], $0xffff  }
0xcb: {  	v13 =	vxor.u32 $0x1, v12;
	v20 =	vld.idx.msk [tilespmem:v29+s23+$0x0], $0xffff;
	v29 =	vmul.f32 v30, v33;
	v30 =	vmul.f32 v21, v35  }
0xcc: {  	v28 =	vmul.f32 v26, v36;
	v21 =	vld.idx.msk [tilespmem:v27+s23+$0x0], $0xffff;
	v27 =	vmul.f32 v24, v37  }
0xcd: {  	s31 =	sadd.s32 $0x40, s31;
	v24 =	vld.idx.msk [tilespmem:v8+s23+$0x0], $0xffff;
	v26 =	vadd.f32 v30, v29;
	v29 =	vmul.f32 v31, v38;
	v30 =	vmul.f32 v34, v32  }
0xce: {  	_ =	sdelay $0x3  }
0xcf: {  	v8 =	vld.idx.msk [tilespmem:v22+s3+$0x0], $0xffff  }
0xd0: {  	v56 =	vld.idx.msk [tilespmem:v22+s13+$0x0], $0xffff  }
0xd1: {  	v31 =	vld.idx.msk [tilespmem:v17+s3+$0x0], $0xffff  }
0xd2: {  	v57 =	vld.idx.msk [tilespmem:v17+s13+$0x0], $0xffff  }
0xd3: {  	v32 =	vld.idx.msk [tilespmem:v15+s3+$0x0], $0xffff  }
0xd4: {  	v58 =	vld.idx.msk [tilespmem:v15+s13+$0x0], $0xffff  }
0xd5: {  	v14 =	vld.idx.msk [tilespmem:v14+s16+$0x0], $0xffff  }
0xd6: {  	v11 =	vld.idx.msk [tilespmem:v11+s16+$0x0], $0xffff  }
0xd7: {  	v13 =	vld.idx.msk [tilespmem:v13+s16+$0x0], $0xffff  }
0xd8: {  	v33 =	vld.idx.msk [tilespmem:v10+s16+$0x0], $0xffff  }
0xd9: {  	v34 =	vld.idx.msk [tilespmem:v9+s16+$0x0], $0xffff  }
0xda: {  	v27 =	vadd.f32 v28, v27;
	v16 =	vmul.f32 v23, v16;
	v60 =	vld.idx.msk [tilespmem:v12+s16+$0x0], $0xffff;
	v59 =	vadd.f32 v30, v29  }
0xdb: {  	v19 =	vmul.f32 v25, v19;
	v1 =	vmul.f32 v26, v1  }
0xdc: {  	v2 =	vmul.f32 v27, v2;
	v3 =	vmul.f32 v59, v3  }
0xdd: {  	v16 =	vadd.f32 v19, v16;
	v8 =	vmul.f32 v8, v33;
	v14 =	vmul.f32 v56, v14  }
0xde: {  	[tilespmem:v6+s18+$0x0] =	vst.idx.msk $0xffff, v1;
	v1 =	vmul.f32 v31, v34;
	v61 =	vmul.f32 v57, v11  }
0xdf: {  	v62 =	vmul.f32 v32, v60;
	v13 =	vmul.f32 v58, v13;
	v8 =	vadd.f32 v14, v8  }
0xe0: {  	v63 =	vmul.f32 v16, v24;
	[tilespmem:v4+s18+$0x0] =	vst.idx.msk $0xffff, v2;
	v1 =	vadd.f32 v61, v1  }
0xe1: {  	[tilespmem:v5+s18+$0x0] =	vst.idx.msk $0xffff, v3;
	v2 =	vadd.f32 v13, v62;
	v3 =	vmul.f32 v8, v18  }
0xe2: {  	[tilespmem:v7+s18+$0x0] =	vst.idx.msk $0xffff, v63;
	v1 =	vmul.f32 v1, v20  }
0xe3: {  	s28 =	sadd.s32 $0x1, s28;
	v2 =	vmul.f32 v2, v21;
	[tilespmem:v10+s18+$0x0] =	vst.idx.msk $0xffff, v3  }
0xe4: {  	p0 =	sne.s32 s28, $0x7D;
	[tilespmem:v9+s18+$0x0] =	vst.idx.msk $0xffff, v1  }
.Ltmp1:
0xe5: {  	[tilespmem:v12+s18+$0x0] =	vst.idx.msk $0xffff, v2;
	(pc) =	sbr.rel @p0 .LBB2_2-.Ltmp1, $4  }
0xe6: {  	[spmem:s11] =	stream.indirect.scatter.add.f32 [tilespmem:s18], [sflag:$0x2], $0x70, s21, s25, $0xb8;
	[tilespmem:$0x1C930] =	vst v63  }
0xe7: {  	_ =	swait.ge [sflag:s12], $0x2300  }
0xe8: {  	[sflag:s12] =	ssyncset.done $0x0  }
0xe9: {  	[sflag:s12] =	ssyncadd.s32 $0xFFFFDD00  }
0xea: {  	s0 =	stileid.u32;
	[bflag:$0x0] =	sbarrier.arrive $0xFFFF  }
0xeb: {  	s0 =	sshll.u32 s0, $0x6;
	s4 =	rddreg [dreg:$0x5]  }
0xec: {  	s10 =	rddreg [dreg:$0x19];
	s0 =	sor.u32 $0x1C02, s0  }
0xed: {  	[hbm:s4], [sflag:s0] =	dma.local [spmem:s10], $0x460  }
0xee: {  	_ =	swait.ge [sflag:s12], $0x460  }
0xef: {  	[sflag:s12] =	ssyncset.done $0x0;
	s30 =	rddreg [dreg:$0x6]  }
0xf0: {  	s31 =	rddreg [dreg:$0x1a];
	[sflag:s12] =	ssyncadd.s32 $0xFFFFFBA0  }
0xf1: {  	[hbm:s30], [sflag:s0] =	dma.local [spmem:s31], $0x460  }
0xf2: {  	_ =	swait.ge [sflag:s12], $0x460  }
0xf3: {  	[sflag:s12] =	ssyncset.done $0x0;
	s28 =	rddreg [dreg:$0x7]  }
0xf4: {  	s29 =	rddreg [dreg:$0x1b];
	[sflag:s12] =	ssyncadd.s32 $0xFFFFFBA0  }
0xf5: {  	[hbm:s28], [sflag:s0] =	dma.local [spmem:s29], $0x460  }
0xf6: {  	_ =	swait.ge [sflag:s12], $0x460  }
0xf7: {  	[sflag:s12] =	ssyncset.done $0x0;
	s30 =	rddreg [dreg:$0x8]  }
0xf8: {  	s31 =	rddreg [dreg:$0x1c];
	[sflag:s12] =	ssyncadd.s32 $0xFFFFFBA0  }
0xf9: {  	[hbm:s30], [sflag:s0] =	dma.local [spmem:s31], $0x460  }
0xfa: {  	_ =	swait.ge [sflag:s12], $0x460  }
0xfb: {  	[sflag:s12] =	ssyncset.done $0x0  }
0xfc: {  	s10 =	rddreg [dreg:$0x9];
	[sflag:s12] =	ssyncadd.s32 $0xFFFFFBA0  }
0xfd: {  	[hbm:s10], [sflag:s0] =	dma.local [spmem:s5], $0x460  }
0xfe: {  	_ =	swait.ge [sflag:s12], $0x460  }
0xff: {  	[sflag:s12] =	ssyncset.done $0x0  }
0x100: {  	s28 =	rddreg [dreg:$0xa];
	[sflag:s12] =	ssyncadd.s32 $0xFFFFFBA0  }
0x101: {  	[hbm:s28], [sflag:s0] =	dma.local [spmem:s6], $0x460  }
0x102: {  	_ =	swait.ge [sflag:s12], $0x460  }
0x103: {  	[sflag:s12] =	ssyncset.done $0x0  }
0x104: {  	s29 =	rddreg [dreg:$0xb];
	[sflag:s12] =	ssyncadd.s32 $0xFFFFFBA0  }
0x105: {  	[hbm:s29], [sflag:s0] =	dma.local [spmem:s7], $0x460  }
0x106: {  	_ =	swait.ge [sflag:s12], $0x460  }
0x107: {  	[sflag:s12] =	ssyncset.done $0x0  }
0x108: {  	s30 =	rddreg [dreg:$0xc];
	[sflag:s12] =	ssyncadd.s32 $0xFFFFFBA0  }
0x109: {  	[hbm:s30], [sflag:s0] =	dma.local [spmem:s8], $0x460  }
0x10a: {  	_ =	swait.ge [sflag:s12], $0x460  }
0x10b: {  	s26 =	sadd.s32 $0x1, s26;
	s31 =	rddreg [dreg:$0x10]  }
0x10c: {  	p0 =	sne.s32 s26, s31  }
.Ltmp2:
0x10d: {  	_ = 	snop;
	(pc) =	sbr.rel @p0 .LBB2_1-.Ltmp2, $3  }
0x10e: {  	_ =	sdelay $0x1  }
0x10f: {  	[sflag:s12] =	ssyncset.done $0x0  }
0x110: {  	[sflag:s12] =	ssyncadd.s32 $0xFFFFFBA0  }
0x111: {  	_ =	sfence.sel $0x180000  }
0x112: {  	[bflag:$0x0] =	sbarrier.arrive $0xFFFF  }
0x113: {  	_ =	strace $0x9000004D  }
0x114: {  	s0 =	stileid.u32;
	[bflag:$0x2] =	sbarrier.arrive $0xFFFF  }
0x115: {  	p0 =	sne.s32 s0, $0x0;
	s0 =	rddreg [dreg:$0x4]  }
0x116: {  	s0 =	sadd.s32 @!p0 $0x100000, s0  }
0x117: {  	[sflag:s0] =	ssyncadd.tile.s32 @!p0 $0x1;
	_ =	shalt  }
.Lfunc_end2:
_tile_overlayer_lowered:
.L_overlay_start_2:
0x118: {  	(tag) =	ssettag $0x2  }
0x119: {  	s0 =	rddreg [dreg:$0x0];
	s2 =	stileid.u32  }
0x11a: {  	s1 =	rddreg [dreg:$0x1];
	p0 =	sne.s32 s2, $0x0  }
0x11b: {  	s3 =	rddreg [dreg:$0x2];
	[bflag:$0x3] =	sbarrier.arrive $0xFFFF;
	s2 =	simm.s32 @!p0 $0x1C02  }
0x11c: {  	[timem:s3], [sflag:s2] =	dma.local @!p0 [hbm:s0], s1  }
0x11d: {  	s0 =	simm.s32 @!p0 $0x2  }
0x11e: {  	_ =	swait.ge @!p0 [sflag:s0], s1  }
0x11f: {  	s1 =	ssub.s32 @!p0 $0x0, s1;
	[sflag:s0] =	ssyncset.done @!p0 $0x0  }
0x120: {  	[sflag:s0] =	ssyncadd.s32 @!p0 s1  }
0x121: {  	[bflag:$0x3] =	sbarrier.arrive $0xFFFF  }
0x122: {  	_ =	shalt  }

</sc_bundles>
